<compile_context>
chip_gen: v7x
topology: tpu7x:2x2x1
jax: 0.10.2.dev20260603
libtpu: 0.0.44.dev20260713+nightly
codegen_flags: <defaults>
</compile_context>

<pallas_src>
import functools

import jax
import jax.numpy as jnp
from jax import lax
from jax.experimental import pallas as pl
from jax.experimental.pallas import tpu as pltpu
from jax.experimental.pallas import tpu_sc as plsc

NUM_CORES = 2
NUM_SUBCORES = 16
NW = NUM_CORES * NUM_SUBCORES
LANES = 16

EMB_DIM = 128
T_DIM = 64
CHUNK = 32
NBUF = 2
NOPND = 7

TS_PITCH = 24


def _tec_body(heads_hbm, rels_hbm, tails_hbm, dates_hbm,
              ent_h_hbm, ent_t_hbm, rel_f_hbm, rel_i_hbm, tim_hbm,
              out_hbm,
              heads_v, rels_v, tails_v, dates_v,
              h1_0, t1_0, h2_0, t2_0, r1_0, r2_0, tt_0,
              h1_1, t1_1, h2_1, t2_1, r1_1, r2_1, tt_1,
              ts_v, out_v,
              sem0, sem1):
    b_per_w = heads_v.shape[0]
    n_chunks = b_per_w // CHUNK
    wid = lax.axis_index("s") * NUM_CORES + lax.axis_index("c")
    base = wid * b_per_w

    bufs = [(h1_0, t1_0, h2_0, t2_0, r1_0, r2_0, tt_0),
            (h1_1, t1_1, h2_1, t2_1, r1_1, r2_1, tt_1)]
    sems = [sem0, sem1]

    idx_cps = [
        pltpu.make_async_copy(heads_hbm.at[pl.ds(base, b_per_w)], heads_v,
                              sem0),
        pltpu.make_async_copy(rels_hbm.at[pl.ds(base, b_per_w)], rels_v,
                              sem0),
        pltpu.make_async_copy(tails_hbm.at[pl.ds(base, b_per_w)], tails_v,
                              sem0),
        pltpu.make_async_copy(dates_hbm.at[pl.ds(base, b_per_w)], dates_v,
                              sem0),
    ]
    for cp in idx_cps:
        cp.start()
    for cp in idx_cps:
        cp.wait()

    def chunk_srcs(off, p):
        h_idx = heads_v.at[pl.ds(off, CHUNK)]
        t_idx = tails_v.at[pl.ds(off, CHUNK)]
        r_idx = rels_v.at[pl.ds(off, CHUNK)]
        d_idx = dates_v.at[pl.ds(off, CHUNK)]
        srcs = (ent_h_hbm.at[h_idx], ent_t_hbm.at[t_idx],
                ent_h_hbm.at[t_idx], ent_t_hbm.at[h_idx],
                rel_f_hbm.at[r_idx], rel_i_hbm.at[r_idx],
                tim_hbm.at[d_idx])
        return [pltpu.make_async_copy(s, d, sems[p])
                for s, d in zip(srcs, bufs[p])]

    def start_chunk(g, p):
        for cp in chunk_srcs(g * CHUNK, p):
            cp.start()

    def drain_chunk(p):
        for cp in chunk_srcs(0, p):
            cp.wait()

    lane_iota = lax.iota(jnp.int32, LANES)

    def compute_group(gi, chunk_off, p):
        h1_v, t1_v, h2_v, t2_v, r1_v, r2_v, tt_v = bufs[p]

        def elem_step(e, _):
            row = gi * LANES + e
            c = jnp.zeros((LANES,), jnp.float32)
            for k in range(EMB_DIM // LANES):
                sl = pl.ds(k * LANES, LANES)
                h1 = h1_v[row, sl]
                t1 = t1_v[row, sl]
                h2 = h2_v[row, sl]
                t2 = t2_v[row, sl]
                r1 = r1_v[row, sl]
                r2 = r2_v[row, sl]
                cc = (r1 * (h1 * t1 + h2 * t2)
                      + r2 * (h1 * t2 - h2 * t1))
                if k * LANES < T_DIM:
                    cc = cc * tt_v[row, sl]
                c = c + cc
            ts_v[pl.ds(e * TS_PITCH, LANES)] = c
            return 0

        lax.fori_loop(0, LANES, elem_step, 0, unroll=2)

        acc = jnp.zeros((LANES,), jnp.float32)
        rows_ts = lane_iota * TS_PITCH
        for l in range(LANES):
            acc = acc + plsc.load_gather(ts_v, [rows_ts + l])
        out_v[pl.ds(chunk_off + gi * LANES, LANES)] = acc
        return chunk_off

    start_chunk(0, 0)

    def pair_body(i, _):
        for b in range(NBUF):
            g = i * NBUF + b
            p = b
            drain_chunk(p)

            @pl.when(g + 1 < n_chunks)
            def _():
                start_chunk(g + 1, 1 - p)

            lax.fori_loop(0, CHUNK // LANES,
                          functools.partial(compute_group, p=p),
                          g * CHUNK)
        return 0

    lax.fori_loop(0, n_chunks // NBUF, pair_body, 0)

    pltpu.sync_copy(out_v, out_hbm.at[pl.ds(base, b_per_w)])


def kernel(heads, rels, tails, dates, ent_embs_h, ent_embs_t,
           rel_embs_f, rel_embs_i, tim_embs_f):
    B = heads.shape[0]
    assert B % (8 * NW) == 0
    b_per_w = B // NW
    tim_full = jnp.concatenate(
        [tim_embs_f, jnp.ones_like(tim_embs_f)], axis=1)

    mesh = plsc.VectorSubcoreMesh(core_axis_name="c", subcore_axis_name="s")
    f = functools.partial(
        pl.kernel,
        mesh=mesh,
        compiler_params=pltpu.CompilerParams(needs_layout_passes=False),
        out_type=jax.ShapeDtypeStruct((B,), jnp.float32),
        scratch_types=[
            pltpu.VMEM((b_per_w,), jnp.int32),
            pltpu.VMEM((b_per_w,), jnp.int32),
            pltpu.VMEM((b_per_w,), jnp.int32),
            pltpu.VMEM((b_per_w,), jnp.int32),
            *[pltpu.VMEM((CHUNK, EMB_DIM), jnp.float32)
              for _ in range(NOPND * NBUF)],
            pltpu.VMEM((LANES * TS_PITCH,), jnp.float32),
            pltpu.VMEM((b_per_w,), jnp.float32),
            pltpu.SemaphoreType.DMA,
            pltpu.SemaphoreType.DMA,
        ],
    )(_tec_body)
    return f(heads, rels, tails, dates, ent_embs_h, ent_embs_t,
             rel_embs_f, rel_embs_i, tim_full)

# --- scband reference (transcript-rebuilt; emitter-appended) ---
"""Pipeline reference for scband-t-complex-86698209837452 (READ-ONLY COPY).

The authoritative reference and input builder live on the scoring server;
editing this copy changes nothing except your own understanding.
"""

import jax, jax.numpy as jnp
import numpy as np

NUM_ENT = 100000
NUM_REL = 1000
NUM_TIME = 1000
EMB_DIM = 128
T_EMB_DIM = 64
S_EMB_DIM = 64
B = 16384


def _xavier(key, shape):
    fan_in, fan_out = shape[0], shape[1]
    limit = np.sqrt(6.0 / (fan_in + fan_out))
    return jax.random.uniform(key, shape, dtype=jnp.float32, minval=-limit, maxval=limit)


def setup_inputs(seed: int = 0) -> dict:
    key = jax.random.key(seed)
    ks = jax.random.split(key, 9)
    heads = jax.random.randint(ks[0], (B,), 0, NUM_ENT, dtype=jnp.int32)
    rels = jax.random.randint(ks[1], (B,), 0, NUM_REL, dtype=jnp.int32)
    tails = jax.random.randint(ks[2], (B,), 0, NUM_ENT, dtype=jnp.int32)
    dates = jax.random.randint(ks[3], (B,), 0, NUM_TIME, dtype=jnp.int32)
    ent_embs_h = _xavier(ks[4], (NUM_ENT, EMB_DIM))
    ent_embs_t = _xavier(ks[5], (NUM_ENT, EMB_DIM))
    rel_embs_f = _xavier(ks[6], (NUM_REL, EMB_DIM))
    rel_embs_i = _xavier(ks[7], (NUM_REL, EMB_DIM))
    tim_embs_f = _xavier(ks[8], (NUM_TIME, T_EMB_DIM))
    return {
        "heads": heads,
        "rels": rels,
        "tails": tails,
        "dates": dates,
        "ent_embs_h": ent_embs_h,
        "ent_embs_t": ent_embs_t,
        "rel_embs_f": rel_embs_f,
        "rel_embs_i": rel_embs_i,
        "tim_embs_f": tim_embs_f,
    }


def reference(heads, rels, tails, dates, ent_embs_h, ent_embs_t, rel_embs_f, rel_embs_i, tim_embs_f):
    # getEmbeddings
    h_embs1 = jnp.take(ent_embs_h, heads, axis=0)
    r_embs1 = jnp.take(rel_embs_f, rels, axis=0)
    t_embs1 = jnp.take(ent_embs_t, tails, axis=0)
    T_embs1 = jnp.take(tim_embs_f, dates, axis=0)
    T_embs2 = jnp.ones((dates.shape[0], S_EMB_DIM), dtype=T_embs1.dtype)
    T_embs = jnp.concatenate((T_embs1, T_embs2), axis=1)
    h_embs2 = jnp.take(ent_embs_h, tails, axis=0)
    r_embs2 = jnp.take(rel_embs_i, rels, axis=0)
    t_embs2 = jnp.take(ent_embs_t, heads, axis=0)
    # forward (dropout is identity in eval mode, p applied only when training)
    scores = (h_embs1 * t_embs1 * r_embs1 * T_embs
              + h_embs2 * t_embs2 * r_embs1 * T_embs
              + h_embs1 * t_embs2 * r_embs2 * T_embs
              - h_embs2 * t_embs1 * r_embs2 * T_embs)
    scores = jnp.sum(scores, axis=1)
    return scores

if __name__ == "__main__":
    import jax
    _d = setup_inputs()
    print(jax.jit(kernel)(*tuple(_d.values())))

</pallas_src>

<mosaic_0001>
#map = affine_map<(d0, d1) -> (0)>
#map1 = affine_map<(d0, d1) -> (0, 0)>
module attributes {stable_mosaic.version = 14 : i64} {
  func.func @_tec_body(%arg0: i32, %arg1: i32, %arg2: memref<16384xi32, #tpu.memory_space<hbm>>, %arg3: memref<16384xi32, #tpu.memory_space<hbm>>, %arg4: memref<16384xi32, #tpu.memory_space<hbm>>, %arg5: memref<16384xi32, #tpu.memory_space<hbm>>, %arg6: memref<100000x128xf32, #tpu.memory_space<hbm>>, %arg7: memref<100000x128xf32, #tpu.memory_space<hbm>>, %arg8: memref<1000x128xf32, #tpu.memory_space<hbm>>, %arg9: memref<1000x128xf32, #tpu.memory_space<hbm>>, %arg10: memref<1000x128xf32, #tpu.memory_space<hbm>>, %arg11: memref<16384xf32, #tpu.memory_space<hbm>>, %arg12: memref<512xi32, #tpu.memory_space<vmem>>, %arg13: memref<512xi32, #tpu.memory_space<vmem>>, %arg14: memref<512xi32, #tpu.memory_space<vmem>>, %arg15: memref<512xi32, #tpu.memory_space<vmem>>, %arg16: memref<32x128xf32, #tpu.memory_space<vmem>>, %arg17: memref<32x128xf32, #tpu.memory_space<vmem>>, %arg18: memref<32x128xf32, #tpu.memory_space<vmem>>, %arg19: memref<32x128xf32, #tpu.memory_space<vmem>>, %arg20: memref<32x128xf32, #tpu.memory_space<vmem>>, %arg21: memref<32x128xf32, #tpu.memory_space<vmem>>, %arg22: memref<32x128xf32, #tpu.memory_space<vmem>>, %arg23: memref<32x128xf32, #tpu.memory_space<vmem>>, %arg24: memref<32x128xf32, #tpu.memory_space<vmem>>, %arg25: memref<32x128xf32, #tpu.memory_space<vmem>>, %arg26: memref<32x128xf32, #tpu.memory_space<vmem>>, %arg27: memref<32x128xf32, #tpu.memory_space<vmem>>, %arg28: memref<32x128xf32, #tpu.memory_space<vmem>>, %arg29: memref<32x128xf32, #tpu.memory_space<vmem>>, %arg30: memref<384xf32, #tpu.memory_space<vmem>>, %arg31: memref<512xf32, #tpu.memory_space<vmem>>, %arg32: memref<!tpu.dma_semaphore, #tpu.memory_space<semaphore_mem>>, %arg33: memref<!tpu.dma_semaphore, #tpu.memory_space<semaphore_mem>>) attributes {dimension_semantics = [#tpu.dimension_semantics<core_parallel>, #tpu.dimension_semantics<subcore_parallel>], iteration_bounds = array<i64: 2, 16>, scalar_prefetch = 0 : i64, scratch_operands = 22 : i64, tpu.core_type = #tpu.core_type<sc_vector_subcore>, window_params = [{transform_indices = #map}, {transform_indices = #map}, {transform_indices = #map}, {transform_indices = #map}, {transform_indices = #map1}, {transform_indices = #map1}, {transform_indices = #map1}, {transform_indices = #map1}, {transform_indices = #map1}, {transform_indices = #map}]} {
    %mul3A = arith.constant 2 : i32
    %mul3A_0 = arith.muli %arg1, %mul3A : i32
    %add3A = arith.addi %mul3A_0, %arg0 : i32
    %mul3A_1 = arith.constant 512 : i32
    %mul3A_2 = arith.muli %add3A, %mul3A_1 : i32
    %dma_start3A = tpu.memref_slice %arg2[%mul3A_2] : memref<16384xi32, #tpu.memory_space<hbm>> -> memref<512xi32, #tpu.memory_space<hbm>>
    %dma_start3A_3 = tpu.memref_slice %arg2[%mul3A_2] : memref<16384xi32, #tpu.memory_space<hbm>> -> memref<512xi32, #tpu.memory_space<hbm>>
    tpu.enqueue_dma source(%dma_start3A_3 : memref<512xi32, #tpu.memory_space<hbm>>) target(%arg12 : memref<512xi32, #tpu.memory_space<vmem>>) target_semaphore(%arg32 : memref<!tpu.dma_semaphore, #tpu.memory_space<semaphore_mem>>)
    %dma_start3A_4 = tpu.memref_slice %arg3[%mul3A_2] : memref<16384xi32, #tpu.memory_space<hbm>> -> memref<512xi32, #tpu.memory_space<hbm>>
    %dma_start3A_5 = tpu.memref_slice %arg3[%mul3A_2] : memref<16384xi32, #tpu.memory_space<hbm>> -> memref<512xi32, #tpu.memory_space<hbm>>
    tpu.enqueue_dma source(%dma_start3A_5 : memref<512xi32, #tpu.memory_space<hbm>>) target(%arg13 : memref<512xi32, #tpu.memory_space<vmem>>) target_semaphore(%arg32 : memref<!tpu.dma_semaphore, #tpu.memory_space<semaphore_mem>>)
    %dma_start3A_6 = tpu.memref_slice %arg4[%mul3A_2] : memref<16384xi32, #tpu.memory_space<hbm>> -> memref<512xi32, #tpu.memory_space<hbm>>
    %dma_start3A_7 = tpu.memref_slice %arg4[%mul3A_2] : memref<16384xi32, #tpu.memory_space<hbm>> -> memref<512xi32, #tpu.memory_space<hbm>>
    tpu.enqueue_dma source(%dma_start3A_7 : memref<512xi32, #tpu.memory_space<hbm>>) target(%arg14 : memref<512xi32, #tpu.memory_space<vmem>>) target_semaphore(%arg32 : memref<!tpu.dma_semaphore, #tpu.memory_space<semaphore_mem>>)
    %dma_start3A_8 = tpu.memref_slice %arg5[%mul3A_2] : memref<16384xi32, #tpu.memory_space<hbm>> -> memref<512xi32, #tpu.memory_space<hbm>>
    %dma_start3A_9 = tpu.memref_slice %arg5[%mul3A_2] : memref<16384xi32, #tpu.memory_space<hbm>> -> memref<512xi32, #tpu.memory_space<hbm>>
    tpu.enqueue_dma source(%dma_start3A_9 : memref<512xi32, #tpu.memory_space<hbm>>) target(%arg15 : memref<512xi32, #tpu.memory_space<vmem>>) target_semaphore(%arg32 : memref<!tpu.dma_semaphore, #tpu.memory_space<semaphore_mem>>)
    %dma_wait3A = tpu.memref_slice %arg2[%mul3A_2] : memref<16384xi32, #tpu.memory_space<hbm>> -> memref<512xi32, #tpu.memory_space<hbm>>
    %dma_wait3A_10 = tpu.memref_slice %arg2[%mul3A_2] : memref<16384xi32, #tpu.memory_space<hbm>> -> memref<512xi32, #tpu.memory_space<hbm>>
    tpu.wait_dma2 semaphore(%arg32 : memref<!tpu.dma_semaphore, #tpu.memory_space<semaphore_mem>>) src(%dma_wait3A_10 : memref<512xi32, #tpu.memory_space<hbm>>) dst(%arg12 : memref<512xi32, #tpu.memory_space<vmem>>)
    %dma_wait3A_11 = tpu.memref_slice %arg3[%mul3A_2] : memref<16384xi32, #tpu.memory_space<hbm>> -> memref<512xi32, #tpu.memory_space<hbm>>
    %dma_wait3A_12 = tpu.memref_slice %arg3[%mul3A_2] : memref<16384xi32, #tpu.memory_space<hbm>> -> memref<512xi32, #tpu.memory_space<hbm>>
    tpu.wait_dma2 semaphore(%arg32 : memref<!tpu.dma_semaphore, #tpu.memory_space<semaphore_mem>>) src(%dma_wait3A_12 : memref<512xi32, #tpu.memory_space<hbm>>) dst(%arg13 : memref<512xi32, #tpu.memory_space<vmem>>)
    %dma_wait3A_13 = tpu.memref_slice %arg4[%mul3A_2] : memref<16384xi32, #tpu.memory_space<hbm>> -> memref<512xi32, #tpu.memory_space<hbm>>
    %dma_wait3A_14 = tpu.memref_slice %arg4[%mul3A_2] : memref<16384xi32, #tpu.memory_space<hbm>> -> memref<512xi32, #tpu.memory_space<hbm>>
    tpu.wait_dma2 semaphore(%arg32 : memref<!tpu.dma_semaphore, #tpu.memory_space<semaphore_mem>>) src(%dma_wait3A_14 : memref<512xi32, #tpu.memory_space<hbm>>) dst(%arg14 : memref<512xi32, #tpu.memory_space<vmem>>)
    %dma_wait3A_15 = tpu.memref_slice %arg5[%mul3A_2] : memref<16384xi32, #tpu.memory_space<hbm>> -> memref<512xi32, #tpu.memory_space<hbm>>
    %dma_wait3A_16 = tpu.memref_slice %arg5[%mul3A_2] : memref<16384xi32, #tpu.memory_space<hbm>> -> memref<512xi32, #tpu.memory_space<hbm>>
    tpu.wait_dma2 semaphore(%arg32 : memref<!tpu.dma_semaphore, #tpu.memory_space<semaphore_mem>>) src(%dma_wait3A_16 : memref<512xi32, #tpu.memory_space<hbm>>) dst(%arg15 : memref<512xi32, #tpu.memory_space<vmem>>)
    %iota3A = tpu.iota {dimensions = array<i32: 0>} : vector<16xi32>
    %dma_start3A_17 = arith.constant 0 : i32
    %dma_start3A_18 = tpu.memref_slice %arg12[%dma_start3A_17] : memref<512xi32, #tpu.memory_space<vmem>> -> memref<32xi32, #tpu.memory_space<vmem>>
    %dma_start3A_19 = arith.constant 0 : i32
    %dma_start3A_20 = arith.constant 0 : i32
    %dma_start3A_21 = tpu.memref_slice %arg6[%dma_start3A_19, %dma_start3A_20] : memref<100000x128xf32, #tpu.memory_space<hbm>> -> memref<100000x128xf32, #tpu.memory_space<hbm>>
    tpu.enqueue_indirect_dma source(%dma_start3A_21 : memref<100000x128xf32, #tpu.memory_space<hbm>>) target(%arg16 : memref<32x128xf32, #tpu.memory_space<vmem>>) offsets(%dma_start3A_18 : memref<32xi32, #tpu.memory_space<vmem>>) semaphore(%arg32 : memref<!tpu.dma_semaphore, #tpu.memory_space<semaphore_mem>>)
    %dma_start3A_22 = arith.constant 0 : i32
    %dma_start3A_23 = tpu.memref_slice %arg14[%dma_start3A_22] : memref<512xi32, #tpu.memory_space<vmem>> -> memref<32xi32, #tpu.memory_space<vmem>>
    %dma_start3A_24 = arith.constant 0 : i32
    %dma_start3A_25 = arith.constant 0 : i32
    %dma_start3A_26 = tpu.memref_slice %arg7[%dma_start3A_24, %dma_start3A_25] : memref<100000x128xf32, #tpu.memory_space<hbm>> -> memref<100000x128xf32, #tpu.memory_space<hbm>>
    tpu.enqueue_indirect_dma source(%dma_start3A_26 : memref<100000x128xf32, #tpu.memory_space<hbm>>) target(%arg17 : memref<32x128xf32, #tpu.memory_space<vmem>>) offsets(%dma_start3A_23 : memref<32xi32, #tpu.memory_space<vmem>>) semaphore(%arg32 : memref<!tpu.dma_semaphore, #tpu.memory_space<semaphore_mem>>)
    %dma_start3A_27 = arith.constant 0 : i32
    %dma_start3A_28 = tpu.memref_slice %arg14[%dma_start3A_27] : memref<512xi32, #tpu.memory_space<vmem>> -> memref<32xi32, #tpu.memory_space<vmem>>
    %dma_start3A_29 = arith.constant 0 : i32
    %dma_start3A_30 = arith.constant 0 : i32
    %dma_start3A_31 = tpu.memref_slice %arg6[%dma_start3A_29, %dma_start3A_30] : memref<100000x128xf32, #tpu.memory_space<hbm>> -> memref<100000x128xf32, #tpu.memory_space<hbm>>
    tpu.enqueue_indirect_dma source(%dma_start3A_31 : memref<100000x128xf32, #tpu.memory_space<hbm>>) target(%arg18 : memref<32x128xf32, #tpu.memory_space<vmem>>) offsets(%dma_start3A_28 : memref<32xi32, #tpu.memory_space<vmem>>) semaphore(%arg32 : memref<!tpu.dma_semaphore, #tpu.memory_space<semaphore_mem>>)
    %dma_start3A_32 = arith.constant 0 : i32
    %dma_start3A_33 = tpu.memref_slice %arg12[%dma_start3A_32] : memref<512xi32, #tpu.memory_space<vmem>> -> memref<32xi32, #tpu.memory_space<vmem>>
    %dma_start3A_34 = arith.constant 0 : i32
    %dma_start3A_35 = arith.constant 0 : i32
    %dma_start3A_36 = tpu.memref_slice %arg7[%dma_start3A_34, %dma_start3A_35] : memref<100000x128xf32, #tpu.memory_space<hbm>> -> memref<100000x128xf32, #tpu.memory_space<hbm>>
    tpu.enqueue_indirect_dma source(%dma_start3A_36 : memref<100000x128xf32, #tpu.memory_space<hbm>>) target(%arg19 : memref<32x128xf32, #tpu.memory_space<vmem>>) offsets(%dma_start3A_33 : memref<32xi32, #tpu.memory_space<vmem>>) semaphore(%arg32 : memref<!tpu.dma_semaphore, #tpu.memory_space<semaphore_mem>>)
    %dma_start3A_37 = arith.constant 0 : i32
    %dma_start3A_38 = tpu.memref_slice %arg13[%dma_start3A_37] : memref<512xi32, #tpu.memory_space<vmem>> -> memref<32xi32, #tpu.memory_space<vmem>>
    %dma_start3A_39 = arith.constant 0 : i32
    %dma_start3A_40 = arith.constant 0 : i32
    %dma_start3A_41 = tpu.memref_slice %arg8[%dma_start3A_39, %dma_start3A_40] : memref<1000x128xf32, #tpu.memory_space<hbm>> -> memref<1000x128xf32, #tpu.memory_space<hbm>>
    tpu.enqueue_indirect_dma source(%dma_start3A_41 : memref<1000x128xf32, #tpu.memory_space<hbm>>) target(%arg20 : memref<32x128xf32, #tpu.memory_space<vmem>>) offsets(%dma_start3A_38 : memref<32xi32, #tpu.memory_space<vmem>>) semaphore(%arg32 : memref<!tpu.dma_semaphore, #tpu.memory_space<semaphore_mem>>)
    %dma_start3A_42 = arith.constant 0 : i32
    %dma_start3A_43 = tpu.memref_slice %arg13[%dma_start3A_42] : memref<512xi32, #tpu.memory_space<vmem>> -> memref<32xi32, #tpu.memory_space<vmem>>
    %dma_start3A_44 = arith.constant 0 : i32
    %dma_start3A_45 = arith.constant 0 : i32
    %dma_start3A_46 = tpu.memref_slice %arg9[%dma_start3A_44, %dma_start3A_45] : memref<1000x128xf32, #tpu.memory_space<hbm>> -> memref<1000x128xf32, #tpu.memory_space<hbm>>
    tpu.enqueue_indirect_dma source(%dma_start3A_46 : memref<1000x128xf32, #tpu.memory_space<hbm>>) target(%arg21 : memref<32x128xf32, #tpu.memory_space<vmem>>) offsets(%dma_start3A_43 : memref<32xi32, #tpu.memory_space<vmem>>) semaphore(%arg32 : memref<!tpu.dma_semaphore, #tpu.memory_space<semaphore_mem>>)
    %dma_start3A_47 = arith.constant 0 : i32
    %dma_start3A_48 = tpu.memref_slice %arg15[%dma_start3A_47] : memref<512xi32, #tpu.memory_space<vmem>> -> memref<32xi32, #tpu.memory_space<vmem>>
    %dma_start3A_49 = arith.constant 0 : i32
    %dma_start3A_50 = arith.constant 0 : i32
    %dma_start3A_51 = tpu.memref_slice %arg10[%dma_start3A_49, %dma_start3A_50] : memref<1000x128xf32, #tpu.memory_space<hbm>> -> memref<1000x128xf32, #tpu.memory_space<hbm>>
    tpu.enqueue_indirect_dma source(%dma_start3A_51 : memref<1000x128xf32, #tpu.memory_space<hbm>>) target(%arg22 : memref<32x128xf32, #tpu.memory_space<vmem>>) offsets(%dma_start3A_48 : memref<32xi32, #tpu.memory_space<vmem>>) semaphore(%arg32 : memref<!tpu.dma_semaphore, #tpu.memory_space<semaphore_mem>>)
    %scan3A = arith.constant 0 : i32
    %scan3A_52 = arith.constant 0 : i32
    %scan3A_53 = arith.constant 8 : i32
    %scan3A_54 = arith.addi %scan3A_52, %scan3A_53 : i32
    %scan3A_55 = arith.constant 1 : i32
    %scan3A_56 = scf.for %scan3A_58 = %scan3A_52 to %scan3A_54 step %scan3A_55 iter_args(%scan3A_59 = %scan3A) -> (i32)  : i32 {
      %mul3A_60 = arith.constant 2 : i32
      %mul3A_61 = arith.muli %scan3A_58, %mul3A_60 : i32
      %add3A_62 = arith.constant 0 : i32
      %add3A_63 = arith.addi %mul3A_61, %add3A_62 : i32
      %dma_wait3A_64 = arith.constant 0 : i32
      %dma_wait3A_65 = tpu.memref_slice %arg12[%dma_wait3A_64] : memref<512xi32, #tpu.memory_space<vmem>> -> memref<32xi32, #tpu.memory_space<vmem>>
      %dma_wait3A_66 = arith.constant 0 : i32
      %dma_wait3A_67 = arith.constant 0 : i32
      %dma_wait3A_68 = tpu.memref_slice %arg6[%dma_wait3A_66, %dma_wait3A_67] : memref<100000x128xf32, #tpu.memory_space<hbm>> -> memref<100000x128xf32, #tpu.memory_space<hbm>>
      tpu.wait_indirect_dma semaphore(%arg32 : memref<!tpu.dma_semaphore, #tpu.memory_space<semaphore_mem>>) src(%dma_wait3A_68 : memref<100000x128xf32, #tpu.memory_space<hbm>>) dst(%arg16 : memref<32x128xf32, #tpu.memory_space<vmem>>)
      %dma_wait3A_69 = arith.constant 0 : i32
      %dma_wait3A_70 = tpu.memref_slice %arg14[%dma_wait3A_69] : memref<512xi32, #tpu.memory_space<vmem>> -> memref<32xi32, #tpu.memory_space<vmem>>
      %dma_wait3A_71 = arith.constant 0 : i32
      %dma_wait3A_72 = arith.constant 0 : i32
      %dma_wait3A_73 = tpu.memref_slice %arg7[%dma_wait3A_71, %dma_wait3A_72] : memref<100000x128xf32, #tpu.memory_space<hbm>> -> memref<100000x128xf32, #tpu.memory_space<hbm>>
      tpu.wait_indirect_dma semaphore(%arg32 : memref<!tpu.dma_semaphore, #tpu.memory_space<semaphore_mem>>) src(%dma_wait3A_73 : memref<100000x128xf32, #tpu.memory_space<hbm>>) dst(%arg17 : memref<32x128xf32, #tpu.memory_space<vmem>>)
      %dma_wait3A_74 = arith.constant 0 : i32
      %dma_wait3A_75 = tpu.memref_slice %arg14[%dma_wait3A_74] : memref<512xi32, #tpu.memory_space<vmem>> -> memref<32xi32, #tpu.memory_space<vmem>>
      %dma_wait3A_76 = arith.constant 0 : i32
      %dma_wait3A_77 = arith.constant 0 : i32
      %dma_wait3A_78 = tpu.memref_slice %arg6[%dma_wait3A_76, %dma_wait3A_77] : memref<100000x128xf32, #tpu.memory_space<hbm>> -> memref<100000x128xf32, #tpu.memory_space<hbm>>
      tpu.wait_indirect_dma semaphore(%arg32 : memref<!tpu.dma_semaphore, #tpu.memory_space<semaphore_mem>>) src(%dma_wait3A_78 : memref<100000x128xf32, #tpu.memory_space<hbm>>) dst(%arg18 : memref<32x128xf32, #tpu.memory_space<vmem>>)
      %dma_wait3A_79 = arith.constant 0 : i32
      %dma_wait3A_80 = tpu.memref_slice %arg12[%dma_wait3A_79] : memref<512xi32, #tpu.memory_space<vmem>> -> memref<32xi32, #tpu.memory_space<vmem>>
      %dma_wait3A_81 = arith.constant 0 : i32
      %dma_wait3A_82 = arith.constant 0 : i32
      %dma_wait3A_83 = tpu.memref_slice %arg7[%dma_wait3A_81, %dma_wait3A_82] : memref<100000x128xf32, #tpu.memory_space<hbm>> -> memref<100000x128xf32, #tpu.memory_space<hbm>>
      tpu.wait_indirect_dma semaphore(%arg32 : memref<!tpu.dma_semaphore, #tpu.memory_space<semaphore_mem>>) src(%dma_wait3A_83 : memref<100000x128xf32, #tpu.memory_space<hbm>>) dst(%arg19 : memref<32x128xf32, #tpu.memory_space<vmem>>)
      %dma_wait3A_84 = arith.constant 0 : i32
      %dma_wait3A_85 = tpu.memref_slice %arg13[%dma_wait3A_84] : memref<512xi32, #tpu.memory_space<vmem>> -> memref<32xi32, #tpu.memory_space<vmem>>
      %dma_wait3A_86 = arith.constant 0 : i32
      %dma_wait3A_87 = arith.constant 0 : i32
      %dma_wait3A_88 = tpu.memref_slice %arg8[%dma_wait3A_86, %dma_wait3A_87] : memref<1000x128xf32, #tpu.memory_space<hbm>> -> memref<1000x128xf32, #tpu.memory_space<hbm>>
      tpu.wait_indirect_dma semaphore(%arg32 : memref<!tpu.dma_semaphore, #tpu.memory_space<semaphore_mem>>) src(%dma_wait3A_88 : memref<1000x128xf32, #tpu.memory_space<hbm>>) dst(%arg20 : memref<32x128xf32, #tpu.memory_space<vmem>>)
      %dma_wait3A_89 = arith.constant 0 : i32
      %dma_wait3A_90 = tpu.memref_slice %arg13[%dma_wait3A_89] : memref<512xi32, #tpu.memory_space<vmem>> -> memref<32xi32, #tpu.memory_space<vmem>>
      %dma_wait3A_91 = arith.constant 0 : i32
      %dma_wait3A_92 = arith.constant 0 : i32
      %dma_wait3A_93 = tpu.memref_slice %arg9[%dma_wait3A_91, %dma_wait3A_92] : memref<1000x128xf32, #tpu.memory_space<hbm>> -> memref<1000x128xf32, #tpu.memory_space<hbm>>
      tpu.wait_indirect_dma semaphore(%arg32 : memref<!tpu.dma_semaphore, #tpu.memory_space<semaphore_mem>>) src(%dma_wait3A_93 : memref<1000x128xf32, #tpu.memory_space<hbm>>) dst(%arg21 : memref<32x128xf32, #tpu.memory_space<vmem>>)
      %dma_wait3A_94 = arith.constant 0 : i32
      %dma_wait3A_95 = tpu.memref_slice %arg15[%dma_wait3A_94] : memref<512xi32, #tpu.memory_space<vmem>> -> memref<32xi32, #tpu.memory_space<vmem>>
      %dma_wait3A_96 = arith.constant 0 : i32
      %dma_wait3A_97 = arith.constant 0 : i32
      %dma_wait3A_98 = tpu.memref_slice %arg10[%dma_wait3A_96, %dma_wait3A_97] : memref<1000x128xf32, #tpu.memory_space<hbm>> -> memref<1000x128xf32, #tpu.memory_space<hbm>>
      tpu.wait_indirect_dma semaphore(%arg32 : memref<!tpu.dma_semaphore, #tpu.memory_space<semaphore_mem>>) src(%dma_wait3A_98 : memref<1000x128xf32, #tpu.memory_space<hbm>>) dst(%arg22 : memref<32x128xf32, #tpu.memory_space<vmem>>)
      %add3A_99 = arith.constant 1 : i32
      %add3A_100 = arith.addi %add3A_63, %add3A_99 : i32
      %lt3A = arith.constant 16 : i32
      %lt3A_101 = arith.cmpi slt, %add3A_100, %lt3A : i32
      %convert_element_type3A = arith.extui %lt3A_101 : i1 to i32
      %cond3A = arith.constant 0 : i32
      %cond3A_102 = arith.cmpi ne, %convert_element_type3A, %cond3A : i32
      scf.if %cond3A_102 {
        %add3A_164 = arith.constant 1 : i32
        %add3A_165 = arith.addi %add3A_63, %add3A_164 : i32
        %mul3A_166 = arith.constant 32 : i32
        %mul3A_167 = arith.muli %add3A_165, %mul3A_166 : i32
        %dma_start3A_168 = tpu.memref_slice %arg12[%mul3A_167] : memref<512xi32, #tpu.memory_space<vmem>> -> memref<32xi32, #tpu.memory_space<vmem>>
        %dma_start3A_169 = arith.constant 0 : i32
        %dma_start3A_170 = arith.constant 0 : i32
        %dma_start3A_171 = tpu.memref_slice %arg6[%dma_start3A_169, %dma_start3A_170] : memref<100000x128xf32, #tpu.memory_space<hbm>> -> memref<100000x128xf32, #tpu.memory_space<hbm>>
        tpu.enqueue_indirect_dma source(%dma_start3A_171 : memref<100000x128xf32, #tpu.memory_space<hbm>>) target(%arg23 : memref<32x128xf32, #tpu.memory_space<vmem>>) offsets(%dma_start3A_168 : memref<32xi32, #tpu.memory_space<vmem>>) semaphore(%arg33 : memref<!tpu.dma_semaphore, #tpu.memory_space<semaphore_mem>>)
        %dma_start3A_172 = tpu.memref_slice %arg14[%mul3A_167] : memref<512xi32, #tpu.memory_space<vmem>> -> memref<32xi32, #tpu.memory_space<vmem>>
        %dma_start3A_173 = arith.constant 0 : i32
        %dma_start3A_174 = arith.constant 0 : i32
        %dma_start3A_175 = tpu.memref_slice %arg7[%dma_start3A_173, %dma_start3A_174] : memref<100000x128xf32, #tpu.memory_space<hbm>> -> memref<100000x128xf32, #tpu.memory_space<hbm>>
        tpu.enqueue_indirect_dma source(%dma_start3A_175 : memref<100000x128xf32, #tpu.memory_space<hbm>>) target(%arg24 : memref<32x128xf32, #tpu.memory_space<vmem>>) offsets(%dma_start3A_172 : memref<32xi32, #tpu.memory_space<vmem>>) semaphore(%arg33 : memref<!tpu.dma_semaphore, #tpu.memory_space<semaphore_mem>>)
        %dma_start3A_176 = tpu.memref_slice %arg14[%mul3A_167] : memref<512xi32, #tpu.memory_space<vmem>> -> memref<32xi32, #tpu.memory_space<vmem>>
        %dma_start3A_177 = arith.constant 0 : i32
        %dma_start3A_178 = arith.constant 0 : i32
        %dma_start3A_179 = tpu.memref_slice %arg6[%dma_start3A_177, %dma_start3A_178] : memref<100000x128xf32, #tpu.memory_space<hbm>> -> memref<100000x128xf32, #tpu.memory_space<hbm>>
        tpu.enqueue_indirect_dma source(%dma_start3A_179 : memref<100000x128xf32, #tpu.memory_space<hbm>>) target(%arg25 : memref<32x128xf32, #tpu.memory_space<vmem>>) offsets(%dma_start3A_176 : memref<32xi32, #tpu.memory_space<vmem>>) semaphore(%arg33 : memref<!tpu.dma_semaphore, #tpu.memory_space<semaphore_mem>>)
        %dma_start3A_180 = tpu.memref_slice %arg12[%mul3A_167] : memref<512xi32, #tpu.memory_space<vmem>> -> memref<32xi32, #tpu.memory_space<vmem>>
        %dma_start3A_181 = arith.constant 0 : i32
        %dma_start3A_182 = arith.constant 0 : i32
        %dma_start3A_183 = tpu.memref_slice %arg7[%dma_start3A_181, %dma_start3A_182] : memref<100000x128xf32, #tpu.memory_space<hbm>> -> memref<100000x128xf32, #tpu.memory_space<hbm>>
        tpu.enqueue_indirect_dma source(%dma_start3A_183 : memref<100000x128xf32, #tpu.memory_space<hbm>>) target(%arg26 : memref<32x128xf32, #tpu.memory_space<vmem>>) offsets(%dma_start3A_180 : memref<32xi32, #tpu.memory_space<vmem>>) semaphore(%arg33 : memref<!tpu.dma_semaphore, #tpu.memory_space<semaphore_mem>>)
        %dma_start3A_184 = tpu.memref_slice %arg13[%mul3A_167] : memref<512xi32, #tpu.memory_space<vmem>> -> memref<32xi32, #tpu.memory_space<vmem>>
        %dma_start3A_185 = arith.constant 0 : i32
        %dma_start3A_186 = arith.constant 0 : i32
        %dma_start3A_187 = tpu.memref_slice %arg8[%dma_start3A_185, %dma_start3A_186] : memref<1000x128xf32, #tpu.memory_space<hbm>> -> memref<1000x128xf32, #tpu.memory_space<hbm>>
        tpu.enqueue_indirect_dma source(%dma_start3A_187 : memref<1000x128xf32, #tpu.memory_space<hbm>>) target(%arg27 : memref<32x128xf32, #tpu.memory_space<vmem>>) offsets(%dma_start3A_184 : memref<32xi32, #tpu.memory_space<vmem>>) semaphore(%arg33 : memref<!tpu.dma_semaphore, #tpu.memory_space<semaphore_mem>>)
        %dma_start3A_188 = tpu.memref_slice %arg13[%mul3A_167] : memref<512xi32, #tpu.memory_space<vmem>> -> memref<32xi32, #tpu.memory_space<vmem>>
        %dma_start3A_189 = arith.constant 0 : i32
        %dma_start3A_190 = arith.constant 0 : i32
        %dma_start3A_191 = tpu.memref_slice %arg9[%dma_start3A_189, %dma_start3A_190] : memref<1000x128xf32, #tpu.memory_space<hbm>> -> memref<1000x128xf32, #tpu.memory_space<hbm>>
        tpu.enqueue_indirect_dma source(%dma_start3A_191 : memref<1000x128xf32, #tpu.memory_space<hbm>>) target(%arg28 : memref<32x128xf32, #tpu.memory_space<vmem>>) offsets(%dma_start3A_188 : memref<32xi32, #tpu.memory_space<vmem>>) semaphore(%arg33 : memref<!tpu.dma_semaphore, #tpu.memory_space<semaphore_mem>>)
        %dma_start3A_192 = tpu.memref_slice %arg15[%mul3A_167] : memref<512xi32, #tpu.memory_space<vmem>> -> memref<32xi32, #tpu.memory_space<vmem>>
        %dma_start3A_193 = arith.constant 0 : i32
        %dma_start3A_194 = arith.constant 0 : i32
        %dma_start3A_195 = tpu.memref_slice %arg10[%dma_start3A_193, %dma_start3A_194] : memref<1000x128xf32, #tpu.memory_space<hbm>> -> memref<1000x128xf32, #tpu.memory_space<hbm>>
        tpu.enqueue_indirect_dma source(%dma_start3A_195 : memref<1000x128xf32, #tpu.memory_space<hbm>>) target(%arg29 : memref<32x128xf32, #tpu.memory_space<vmem>>) offsets(%dma_start3A_192 : memref<32xi32, #tpu.memory_space<vmem>>) semaphore(%arg33 : memref<!tpu.dma_semaphore, #tpu.memory_space<semaphore_mem>>)
      } else {
      }
      %mul3A_103 = arith.constant 32 : i32
      %mul3A_104 = arith.muli %add3A_63, %mul3A_103 : i32
      %scan3A_105 = arith.constant 0 : i32
      %scan3A_106 = arith.constant 2 : i32
      %scan3A_107 = arith.addi %scan3A_105, %scan3A_106 : i32
      %scan3A_108 = arith.constant 1 : i32
      scf.for %scan3A_164 = %scan3A_105 to %scan3A_107 step %scan3A_108  : i32 {
        %scan3A_165 = arith.constant 0 : i32
        %scan3A_166 = arith.constant 0 : i32
        %scan3A_167 = arith.constant 16 : i32
        %scan3A_168 = arith.addi %scan3A_166, %scan3A_167 : i32
        %scan3A_169 = arith.constant 2 : i32
        %scan3A_170 = scf.for %scan3A_259 = %scan3A_166 to %scan3A_168 step %scan3A_169 iter_args(%scan3A_260 = %scan3A_165) -> (i32)  : i32 {
          %mul3A_261 = arith.constant 16 : i32
          %mul3A_262 = arith.muli %scan3A_164, %mul3A_261 : i32
          %add3A_263 = arith.addi %mul3A_262, %scan3A_259 : i32
          %broadcast_in_dim3A_264 = arith.constant 0.000000e+00 : f32
          %broadcast_in_dim3A_265 = vector.broadcast %broadcast_in_dim3A_264 : f32 to vector<16xf32>
          %get3A = arith.index_cast %add3A_263 : i32 to index
          %get3A_266 = arith.constant 0 : index
          %get3A_267 = tpu.vector_load %arg16[%get3A, %get3A_266] {strides = array<i32>} : memref<32x128xf32, #tpu.memory_space<vmem>>, vector<16xf32>,
          %get3A_268 = arith.index_cast %add3A_263 : i32 to index
          %get3A_269 = arith.constant 0 : index
          %get3A_270 = tpu.vector_load %arg17[%get3A_268, %get3A_269] {strides = array<i32>} : memref<32x128xf32, #tpu.memory_space<vmem>>, vector<16xf32>,
          %get3A_271 = arith.index_cast %add3A_263 : i32 to index
          %get3A_272 = arith.constant 0 : index
          %get3A_273 = tpu.vector_load %arg18[%get3A_271, %get3A_272] {strides = array<i32>} : memref<32x128xf32, #tpu.memory_space<vmem>>, vector<16xf32>,
          %get3A_274 = arith.index_cast %add3A_263 : i32 to index
          %get3A_275 = arith.constant 0 : index
          %get3A_276 = tpu.vector_load %arg19[%get3A_274, %get3A_275] {strides = array<i32>} : memref<32x128xf32, #tpu.memory_space<vmem>>, vector<16xf32>,
          %get3A_277 = arith.index_cast %add3A_263 : i32 to index
          %get3A_278 = arith.constant 0 : index
          %get3A_279 = tpu.vector_load %arg20[%get3A_277, %get3A_278] {strides = array<i32>} : memref<32x128xf32, #tpu.memory_space<vmem>>, vector<16xf32>,
          %get3A_280 = arith.index_cast %add3A_263 : i32 to index
          %get3A_281 = arith.constant 0 : index
          %get3A_282 = tpu.vector_load %arg21[%get3A_280, %get3A_281] {strides = array<i32>} : memref<32x128xf32, #tpu.memory_space<vmem>>, vector<16xf32>,
          %mul3A_283 = arith.mulf %get3A_267, %get3A_270 : vector<16xf32>
          %mul3A_284 = arith.mulf %get3A_273, %get3A_276 : vector<16xf32>
          %add3A_285 = arith.addf %mul3A_283, %mul3A_284 : vector<16xf32>
          %mul3A_286 = arith.mulf %get3A_279, %add3A_285 : vector<16xf32>
          %mul3A_287 = arith.mulf %get3A_267, %get3A_276 : vector<16xf32>
          %mul3A_288 = arith.mulf %get3A_273, %get3A_270 : vector<16xf32>
          %sub3A = arith.subf %mul3A_287, %mul3A_288 : vector<16xf32>
          %mul3A_289 = arith.mulf %get3A_282, %sub3A : vector<16xf32>
          %add3A_290 = arith.addf %mul3A_286, %mul3A_289 : vector<16xf32>
          %get3A_291 = arith.index_cast %add3A_263 : i32 to index
          %get3A_292 = arith.constant 0 : index
          %get3A_293 = tpu.vector_load %arg22[%get3A_291, %get3A_292] {strides = array<i32>} : memref<32x128xf32, #tpu.memory_space<vmem>>, vector<16xf32>,
          %mul3A_294 = arith.mulf %add3A_290, %get3A_293 : vector<16xf32>
          %add3A_295 = arith.addf %broadcast_in_dim3A_265, %mul3A_294 : vector<16xf32>
          %get3A_296 = arith.index_cast %add3A_263 : i32 to index
          %get3A_297 = arith.constant 16 : index
          %get3A_298 = tpu.vector_load %arg16[%get3A_296, %get3A_297] {strides = array<i32>} : memref<32x128xf32, #tpu.memory_space<vmem>>, vector<16xf32>,
          %get3A_299 = arith.index_cast %add3A_263 : i32 to index
          %get3A_300 = arith.constant 16 : index
          %get3A_301 = tpu.vector_load %arg17[%get3A_299, %get3A_300] {strides = array<i32>} : memref<32x128xf32, #tpu.memory_space<vmem>>, vector<16xf32>,
          %get3A_302 = arith.index_cast %add3A_263 : i32 to index
          %get3A_303 = arith.constant 16 : index
          %get3A_304 = tpu.vector_load %arg18[%get3A_302, %get3A_303] {strides = array<i32>} : memref<32x128xf32, #tpu.memory_space<vmem>>, vector<16xf32>,
          %get3A_305 = arith.index_cast %add3A_263 : i32 to index
          %get3A_306 = arith.constant 16 : index
          %get3A_307 = tpu.vector_load %arg19[%get3A_305, %get3A_306] {strides = array<i32>} : memref<32x128xf32, #tpu.memory_space<vmem>>, vector<16xf32>,
          %get3A_308 = arith.index_cast %add3A_263 : i32 to index
          %get3A_309 = arith.constant 16 : index
          %get3A_310 = tpu.vector_load %arg20[%get3A_308, %get3A_309] {strides = array<i32>} : memref<32x128xf32, #tpu.memory_space<vmem>>, vector<16xf32>,
          %get3A_311 = arith.index_cast %add3A_263 : i32 to index
          %get3A_312 = arith.constant 16 : index
          %get3A_313 = tpu.vector_load %arg21[%get3A_311, %get3A_312] {strides = array<i32>} : memref<32x128xf32, #tpu.memory_space<vmem>>, vector<16xf32>,
          %mul3A_314 = arith.mulf %get3A_298, %get3A_301 : vector<16xf32>
          %mul3A_315 = arith.mulf %get3A_304, %get3A_307 : vector<16xf32>
          %add3A_316 = arith.addf %mul3A_314, %mul3A_315 : vector<16xf32>
          %mul3A_317 = arith.mulf %get3A_310, %add3A_316 : vector<16xf32>
          %mul3A_318 = arith.mulf %get3A_298, %get3A_307 : vector<16xf32>
          %mul3A_319 = arith.mulf %get3A_304, %get3A_301 : vector<16xf32>
          %sub3A_320 = arith.subf %mul3A_318, %mul3A_319 : vector<16xf32>
          %mul3A_321 = arith.mulf %get3A_313, %sub3A_320 : vector<16xf32>
          %add3A_322 = arith.addf %mul3A_317, %mul3A_321 : vector<16xf32>
          %get3A_323 = arith.index_cast %add3A_263 : i32 to index
          %get3A_324 = arith.constant 16 : index
          %get3A_325 = tpu.vector_load %arg22[%get3A_323, %get3A_324] {strides = array<i32>} : memref<32x128xf32, #tpu.memory_space<vmem>>, vector<16xf32>,
          %mul3A_326 = arith.mulf %add3A_322, %get3A_325 : vector<16xf32>
          %add3A_327 = arith.addf %add3A_295, %mul3A_326 : vector<16xf32>
          %get3A_328 = arith.index_cast %add3A_263 : i32 to index
          %get3A_329 = arith.constant 32 : index
          %get3A_330 = tpu.vector_load %arg16[%get3A_328, %get3A_329] {strides = array<i32>} : memref<32x128xf32, #tpu.memory_space<vmem>>, vector<16xf32>,
          %get3A_331 = arith.index_cast %add3A_263 : i32 to index
          %get3A_332 = arith.constant 32 : index
          %get3A_333 = tpu.vector_load %arg17[%get3A_331, %get3A_332] {strides = array<i32>} : memref<32x128xf32, #tpu.memory_space<vmem>>, vector<16xf32>,
          %get3A_334 = arith.index_cast %add3A_263 : i32 to index
          %get3A_335 = arith.constant 32 : index
          %get3A_336 = tpu.vector_load %arg18[%get3A_334, %get3A_335] {strides = array<i32>} : memref<32x128xf32, #tpu.memory_space<vmem>>, vector<16xf32>,
          %get3A_337 = arith.index_cast %add3A_263 : i32 to index
          %get3A_338 = arith.constant 32 : index
          %get3A_339 = tpu.vector_load %arg19[%get3A_337, %get3A_338] {strides = array<i32>} : memref<32x128xf32, #tpu.memory_space<vmem>>, vector<16xf32>,
          %get3A_340 = arith.index_cast %add3A_263 : i32 to index
          %get3A_341 = arith.constant 32 : index
          %get3A_342 = tpu.vector_load %arg20[%get3A_340, %get3A_341] {strides = array<i32>} : memref<32x128xf32, #tpu.memory_space<vmem>>, vector<16xf32>,
          %get3A_343 = arith.index_cast %add3A_263 : i32 to index
          %get3A_344 = arith.constant 32 : index
          %get3A_345 = tpu.vector_load %arg21[%get3A_343, %get3A_344] {strides = array<i32>} : memref<32x128xf32, #tpu.memory_space<vmem>>, vector<16xf32>,
          %mul3A_346 = arith.mulf %get3A_330, %get3A_333 : vector<16xf32>
          %mul3A_347 = arith.mulf %get3A_336, %get3A_339 : vector<16xf32>
          %add3A_348 = arith.addf %mul3A_346, %mul3A_347 : vector<16xf32>
          %mul3A_349 = arith.mulf %get3A_342, %add3A_348 : vector<16xf32>
          %mul3A_350 = arith.mulf %get3A_330, %get3A_339 : vector<16xf32>
          %mul3A_351 = arith.mulf %get3A_336, %get3A_333 : vector<16xf32>
          %sub3A_352 = arith.subf %mul3A_350, %mul3A_351 : vector<16xf32>
          %mul3A_353 = arith.mulf %get3A_345, %sub3A_352 : vector<16xf32>
          %add3A_354 = arith.addf %mul3A_349, %mul3A_353 : vector<16xf32>
          %get3A_355 = arith.index_cast %add3A_263 : i32 to index
          %get3A_356 = arith.constant 32 : index
          %get3A_357 = tpu.vector_load %arg22[%get3A_355, %get3A_356] {strides = array<i32>} : memref<32x128xf32, #tpu.memory_space<vmem>>, vector<16xf32>,
          %mul3A_358 = arith.mulf %add3A_354, %get3A_357 : vector<16xf32>
          %add3A_359 = arith.addf %add3A_327, %mul3A_358 : vector<16xf32>
          %get3A_360 = arith.index_cast %add3A_263 : i32 to index
          %get3A_361 = arith.constant 48 : index
          %get3A_362 = tpu.vector_load %arg16[%get3A_360, %get3A_361] {strides = array<i32>} : memref<32x128xf32, #tpu.memory_space<vmem>>, vector<16xf32>,
          %get3A_363 = arith.index_cast %add3A_263 : i32 to index
          %get3A_364 = arith.constant 48 : index
          %get3A_365 = tpu.vector_load %arg17[%get3A_363, %get3A_364] {strides = array<i32>} : memref<32x128xf32, #tpu.memory_space<vmem>>, vector<16xf32>,
          %get3A_366 = arith.index_cast %add3A_263 : i32 to index
          %get3A_367 = arith.constant 48 : index
          %get3A_368 = tpu.vector_load %arg18[%get3A_366, %get3A_367] {strides = array<i32>} : memref<32x128xf32, #tpu.memory_space<vmem>>, vector<16xf32>,
          %get3A_369 = arith.index_cast %add3A_263 : i32 to index
          %get3A_370 = arith.constant 48 : index
          %get3A_371 = tpu.vector_load %arg19[%get3A_369, %get3A_370] {strides = array<i32>} : memref<32x128xf32, #tpu.memory_space<vmem>>, vector<16xf32>,
          %get3A_372 = arith.index_cast %add3A_263 : i32 to index
          %get3A_373 = arith.constant 48 : index
          %get3A_374 = tpu.vector_load %arg20[%get3A_372, %get3A_373] {strides = array<i32>} : memref<32x128xf32, #tpu.memory_space<vmem>>, vector<16xf32>,
          %get3A_375 = arith.index_cast %add3A_263 : i32 to index
          %get3A_376 = arith.constant 48 : index
          %get3A_377 = tpu.vector_load %arg21[%get3A_375, %get3A_376] {strides = array<i32>} : memref<32x128xf32, #tpu.memory_space<vmem>>, vector<16xf32>,
          %mul3A_378 = arith.mulf %get3A_362, %get3A_365 : vector<16xf32>
          %mul3A_379 = arith.mulf %get3A_368, %get3A_371 : vector<16xf32>
          %add3A_380 = arith.addf %mul3A_378, %mul3A_379 : vector<16xf32>
          %mul3A_381 = arith.mulf %get3A_374, %add3A_380 : vector<16xf32>
          %mul3A_382 = arith.mulf %get3A_362, %get3A_371 : vector<16xf32>
          %mul3A_383 = arith.mulf %get3A_368, %get3A_365 : vector<16xf32>
          %sub3A_384 = arith.subf %mul3A_382, %mul3A_383 : vector<16xf32>
          %mul3A_385 = arith.mulf %get3A_377, %sub3A_384 : vector<16xf32>
          %add3A_386 = arith.addf %mul3A_381, %mul3A_385 : vector<16xf32>
          %get3A_387 = arith.index_cast %add3A_263 : i32 to index
          %get3A_388 = arith.constant 48 : index
          %get3A_389 = tpu.vector_load %arg22[%get3A_387, %get3A_388] {strides = array<i32>} : memref<32x128xf32, #tpu.memory_space<vmem>>, vector<16xf32>,
          %mul3A_390 = arith.mulf %add3A_386, %get3A_389 : vector<16xf32>
          %add3A_391 = arith.addf %add3A_359, %mul3A_390 : vector<16xf32>
          %get3A_392 = arith.index_cast %add3A_263 : i32 to index
          %get3A_393 = arith.constant 64 : index
          %get3A_394 = tpu.vector_load %arg16[%get3A_392, %get3A_393] {strides = array<i32>} : memref<32x128xf32, #tpu.memory_space<vmem>>, vector<16xf32>,
          %get3A_395 = arith.index_cast %add3A_263 : i32 to index
          %get3A_396 = arith.constant 64 : index
          %get3A_397 = tpu.vector_load %arg17[%get3A_395, %get3A_396] {strides = array<i32>} : memref<32x128xf32, #tpu.memory_space<vmem>>, vector<16xf32>,
          %get3A_398 = arith.index_cast %add3A_263 : i32 to index
          %get3A_399 = arith.constant 64 : index
          %get3A_400 = tpu.vector_load %arg18[%get3A_398, %get3A_399] {strides = array<i32>} : memref<32x128xf32, #tpu.memory_space<vmem>>, vector<16xf32>,
          %get3A_401 = arith.index_cast %add3A_263 : i32 to index
          %get3A_402 = arith.constant 64 : index
          %get3A_403 = tpu.vector_load %arg19[%get3A_401, %get3A_402] {strides = array<i32>} : memref<32x128xf32, #tpu.memory_space<vmem>>, vector<16xf32>,
          %get3A_404 = arith.index_cast %add3A_263 : i32 to index
          %get3A_405 = arith.constant 64 : index
          %get3A_406 = tpu.vector_load %arg20[%get3A_404, %get3A_405] {strides = array<i32>} : memref<32x128xf32, #tpu.memory_space<vmem>>, vector<16xf32>,
          %get3A_407 = arith.index_cast %add3A_263 : i32 to index
          %get3A_408 = arith.constant 64 : index
          %get3A_409 = tpu.vector_load %arg21[%get3A_407, %get3A_408] {strides = array<i32>} : memref<32x128xf32, #tpu.memory_space<vmem>>, vector<16xf32>,
          %mul3A_410 = arith.mulf %get3A_394, %get3A_397 : vector<16xf32>
          %mul3A_411 = arith.mulf %get3A_400, %get3A_403 : vector<16xf32>
          %add3A_412 = arith.addf %mul3A_410, %mul3A_411 : vector<16xf32>
          %mul3A_413 = arith.mulf %get3A_406, %add3A_412 : vector<16xf32>
          %mul3A_414 = arith.mulf %get3A_394, %get3A_403 : vector<16xf32>
          %mul3A_415 = arith.mulf %get3A_400, %get3A_397 : vector<16xf32>
          %sub3A_416 = arith.subf %mul3A_414, %mul3A_415 : vector<16xf32>
          %mul3A_417 = arith.mulf %get3A_409, %sub3A_416 : vector<16xf32>
          %add3A_418 = arith.addf %mul3A_413, %mul3A_417 : vector<16xf32>
          %add3A_419 = arith.addf %add3A_391, %add3A_418 : vector<16xf32>
          %get3A_420 = arith.index_cast %add3A_263 : i32 to index
          %get3A_421 = arith.constant 80 : index
          %get3A_422 = tpu.vector_load %arg16[%get3A_420, %get3A_421] {strides = array<i32>} : memref<32x128xf32, #tpu.memory_space<vmem>>, vector<16xf32>,
          %get3A_423 = arith.index_cast %add3A_263 : i32 to index
          %get3A_424 = arith.constant 80 : index
          %get3A_425 = tpu.vector_load %arg17[%get3A_423, %get3A_424] {strides = array<i32>} : memref<32x128xf32, #tpu.memory_space<vmem>>, vector<16xf32>,
          %get3A_426 = arith.index_cast %add3A_263 : i32 to index
          %get3A_427 = arith.constant 80 : index
          %get3A_428 = tpu.vector_load %arg18[%get3A_426, %get3A_427] {strides = array<i32>} : memref<32x128xf32, #tpu.memory_space<vmem>>, vector<16xf32>,
          %get3A_429 = arith.index_cast %add3A_263 : i32 to index
          %get3A_430 = arith.constant 80 : index
          %get3A_431 = tpu.vector_load %arg19[%get3A_429, %get3A_430] {strides = array<i32>} : memref<32x128xf32, #tpu.memory_space<vmem>>, vector<16xf32>,
          %get3A_432 = arith.index_cast %add3A_263 : i32 to index
          %get3A_433 = arith.constant 80 : index
          %get3A_434 = tpu.vector_load %arg20[%get3A_432, %get3A_433] {strides = array<i32>} : memref<32x128xf32, #tpu.memory_space<vmem>>, vector<16xf32>,
          %get3A_435 = arith.index_cast %add3A_263 : i32 to index
          %get3A_436 = arith.constant 80 : index
          %get3A_437 = tpu.vector_load %arg21[%get3A_435, %get3A_436] {strides = array<i32>} : memref<32x128xf32, #tpu.memory_space<vmem>>, vector<16xf32>,
          %mul3A_438 = arith.mulf %get3A_422, %get3A_425 : vector<16xf32>
          %mul3A_439 = arith.mulf %get3A_428, %get3A_431 : vector<16xf32>
          %add3A_440 = arith.addf %mul3A_438, %mul3A_439 : vector<16xf32>
          %mul3A_441 = arith.mulf %get3A_434, %add3A_440 : vector<16xf32>
          %mul3A_442 = arith.mulf %get3A_422, %get3A_431 : vector<16xf32>
          %mul3A_443 = arith.mulf %get3A_428, %get3A_425 : vector<16xf32>
          %sub3A_444 = arith.subf %mul3A_442, %mul3A_443 : vector<16xf32>
          %mul3A_445 = arith.mulf %get3A_437, %sub3A_444 : vector<16xf32>
          %add3A_446 = arith.addf %mul3A_441, %mul3A_445 : vector<16xf32>
          %add3A_447 = arith.addf %add3A_419, %add3A_446 : vector<16xf32>
          %get3A_448 = arith.index_cast %add3A_263 : i32 to index
          %get3A_449 = arith.constant 96 : index
          %get3A_450 = tpu.vector_load %arg16[%get3A_448, %get3A_449] {strides = array<i32>} : memref<32x128xf32, #tpu.memory_space<vmem>>, vector<16xf32>,
          %get3A_451 = arith.index_cast %add3A_263 : i32 to index
          %get3A_452 = arith.constant 96 : index
          %get3A_453 = tpu.vector_load %arg17[%get3A_451, %get3A_452] {strides = array<i32>} : memref<32x128xf32, #tpu.memory_space<vmem>>, vector<16xf32>,
          %get3A_454 = arith.index_cast %add3A_263 : i32 to index
          %get3A_455 = arith.constant 96 : index
          %get3A_456 = tpu.vector_load %arg18[%get3A_454, %get3A_455] {strides = array<i32>} : memref<32x128xf32, #tpu.memory_space<vmem>>, vector<16xf32>,
          %get3A_457 = arith.index_cast %add3A_263 : i32 to index
          %get3A_458 = arith.constant 96 : index
          %get3A_459 = tpu.vector_load %arg19[%get3A_457, %get3A_458] {strides = array<i32>} : memref<32x128xf32, #tpu.memory_space<vmem>>, vector<16xf32>,
          %get3A_460 = arith.index_cast %add3A_263 : i32 to index
          %get3A_461 = arith.constant 96 : index
          %get3A_462 = tpu.vector_load %arg20[%get3A_460, %get3A_461] {strides = array<i32>} : memref<32x128xf32, #tpu.memory_space<vmem>>, vector<16xf32>,
          %get3A_463 = arith.index_cast %add3A_263 : i32 to index
          %get3A_464 = arith.constant 96 : index
          %get3A_465 = tpu.vector_load %arg21[%get3A_463, %get3A_464] {strides = array<i32>} : memref<32x128xf32, #tpu.memory_space<vmem>>, vector<16xf32>,
          %mul3A_466 = arith.mulf %get3A_450, %get3A_453 : vector<16xf32>
          %mul3A_467 = arith.mulf %get3A_456, %get3A_459 : vector<16xf32>
          %add3A_468 = arith.addf %mul3A_466, %mul3A_467 : vector<16xf32>
          %mul3A_469 = arith.mulf %get3A_462, %add3A_468 : vector<16xf32>
          %mul3A_470 = arith.mulf %get3A_450, %get3A_459 : vector<16xf32>
          %mul3A_471 = arith.mulf %get3A_456, %get3A_453 : vector<16xf32>
          %sub3A_472 = arith.subf %mul3A_470, %mul3A_471 : vector<16xf32>
          %mul3A_473 = arith.mulf %get3A_465, %sub3A_472 : vector<16xf32>
          %add3A_474 = arith.addf %mul3A_469, %mul3A_473 : vector<16xf32>
          %add3A_475 = arith.addf %add3A_447, %add3A_474 : vector<16xf32>
          %get3A_476 = arith.index_cast %add3A_263 : i32 to index
          %get3A_477 = arith.constant 112 : index
          %get3A_478 = tpu.vector_load %arg16[%get3A_476, %get3A_477] {strides = array<i32>} : memref<32x128xf32, #tpu.memory_space<vmem>>, vector<16xf32>,
          %get3A_479 = arith.index_cast %add3A_263 : i32 to index
          %get3A_480 = arith.constant 112 : index
          %get3A_481 = tpu.vector_load %arg17[%get3A_479, %get3A_480] {strides = array<i32>} : memref<32x128xf32, #tpu.memory_space<vmem>>, vector<16xf32>,
          %get3A_482 = arith.index_cast %add3A_263 : i32 to index
          %get3A_483 = arith.constant 112 : index
          %get3A_484 = tpu.vector_load %arg18[%get3A_482, %get3A_483] {strides = array<i32>} : memref<32x128xf32, #tpu.memory_space<vmem>>, vector<16xf32>,
          %get3A_485 = arith.index_cast %add3A_263 : i32 to index
          %get3A_486 = arith.constant 112 : index
          %get3A_487 = tpu.vector_load %arg19[%get3A_485, %get3A_486] {strides = array<i32>} : memref<32x128xf32, #tpu.memory_space<vmem>>, vector<16xf32>,
          %get3A_488 = arith.index_cast %add3A_263 : i32 to index
          %get3A_489 = arith.constant 112 : index
          %get3A_490 = tpu.vector_load %arg20[%get3A_488, %get3A_489] {strides = array<i32>} : memref<32x128xf32, #tpu.memory_space<vmem>>, vector<16xf32>,
          %get3A_491 = arith.index_cast %add3A_263 : i32 to index
          %get3A_492 = arith.constant 112 : index
          %get3A_493 = tpu.vector_load %arg21[%get3A_491, %get3A_492] {strides = array<i32>} : memref<32x128xf32, #tpu.memory_space<vmem>>, vector<16xf32>,
          %mul3A_494 = arith.mulf %get3A_478, %get3A_481 : vector<16xf32>
          %mul3A_495 = arith.mulf %get3A_484, %get3A_487 : vector<16xf32>
          %add3A_496 = arith.addf %mul3A_494, %mul3A_495 : vector<16xf32>
          %mul3A_497 = arith.mulf %get3A_490, %add3A_496 : vector<16xf32>
          %mul3A_498 = arith.mulf %get3A_478, %get3A_487 : vector<16xf32>
          %mul3A_499 = arith.mulf %get3A_484, %get3A_481 : vector<16xf32>
          %sub3A_500 = arith.subf %mul3A_498, %mul3A_499 : vector<16xf32>
          %mul3A_501 = arith.mulf %get3A_493, %sub3A_500 : vector<16xf32>
          %add3A_502 = arith.addf %mul3A_497, %mul3A_501 : vector<16xf32>
          %add3A_503 = arith.addf %add3A_475, %add3A_502 : vector<16xf32>
          %mul3A_504 = arith.constant 24 : i32
          %mul3A_505 = arith.muli %scan3A_259, %mul3A_504 : i32
          %swap3A_506 = arith.index_cast %mul3A_505 : i32 to index
          %swap3A_507 = tpu.vector_load %arg30[%swap3A_506] {strides = array<i32>} : memref<384xf32, #tpu.memory_space<vmem>>, vector<16xf32>,
          tpu.vector_store %arg30[%swap3A_506], %add3A_503 {strides = array<i32>} : memref<384xf32, #tpu.memory_space<vmem>>, vector<16xf32>,
          %scan3A_508 = arith.constant 0 : i32
          %scan3A_509 = arith.constant 1 : i32
          %scan3A_510 = arith.addi %scan3A_259, %scan3A_509 : i32
          %mul3A_511 = arith.constant 16 : i32
          %mul3A_512 = arith.muli %scan3A_164, %mul3A_511 : i32
          %add3A_513 = arith.addi %mul3A_512, %scan3A_510 : i32
          %broadcast_in_dim3A_514 = arith.constant 0.000000e+00 : f32
          %broadcast_in_dim3A_515 = vector.broadcast %broadcast_in_dim3A_514 : f32 to vector<16xf32>
          %get3A_516 = arith.index_cast %add3A_513 : i32 to index
          %get3A_517 = arith.constant 0 : index
          %get3A_518 = tpu.vector_load %arg16[%get3A_516, %get3A_517] {strides = array<i32>} : memref<32x128xf32, #tpu.memory_space<vmem>>, vector<16xf32>,
          %get3A_519 = arith.index_cast %add3A_513 : i32 to index
          %get3A_520 = arith.constant 0 : index
          %get3A_521 = tpu.vector_load %arg17[%get3A_519, %get3A_520] {strides = array<i32>} : memref<32x128xf32, #tpu.memory_space<vmem>>, vector<16xf32>,
          %get3A_522 = arith.index_cast %add3A_513 : i32 to index
          %get3A_523 = arith.constant 0 : index
          %get3A_524 = tpu.vector_load %arg18[%get3A_522, %get3A_523] {strides = array<i32>} : memref<32x128xf32, #tpu.memory_space<vmem>>, vector<16xf32>,
          %get3A_525 = arith.index_cast %add3A_513 : i32 to index
          %get3A_526 = arith.constant 0 : index
          %get3A_527 = tpu.vector_load %arg19[%get3A_525, %get3A_526] {strides = array<i32>} : memref<32x128xf32, #tpu.memory_space<vmem>>, vector<16xf32>,
          %get3A_528 = arith.index_cast %add3A_513 : i32 to index
          %get3A_529 = arith.constant 0 : index
          %get3A_530 = tpu.vector_load %arg20[%get3A_528, %get3A_529] {strides = array<i32>} : memref<32x128xf32, #tpu.memory_space<vmem>>, vector<16xf32>,
          %get3A_531 = arith.index_cast %add3A_513 : i32 to index
          %get3A_532 = arith.constant 0 : index
          %get3A_533 = tpu.vector_load %arg21[%get3A_531, %get3A_532] {strides = array<i32>} : memref<32x128xf32, #tpu.memory_space<vmem>>, vector<16xf32>,
          %mul3A_534 = arith.mulf %get3A_518, %get3A_521 : vector<16xf32>
          %mul3A_535 = arith.mulf %get3A_524, %get3A_527 : vector<16xf32>
          %add3A_536 = arith.addf %mul3A_534, %mul3A_535 : vector<16xf32>
          %mul3A_537 = arith.mulf %get3A_530, %add3A_536 : vector<16xf32>
          %mul3A_538 = arith.mulf %get3A_518, %get3A_527 : vector<16xf32>
          %mul3A_539 = arith.mulf %get3A_524, %get3A_521 : vector<16xf32>
          %sub3A_540 = arith.subf %mul3A_538, %mul3A_539 : vector<16xf32>
          %mul3A_541 = arith.mulf %get3A_533, %sub3A_540 : vector<16xf32>
          %add3A_542 = arith.addf %mul3A_537, %mul3A_541 : vector<16xf32>
          %get3A_543 = arith.index_cast %add3A_513 : i32 to index
          %get3A_544 = arith.constant 0 : index
          %get3A_545 = tpu.vector_load %arg22[%get3A_543, %get3A_544] {strides = array<i32>} : memref<32x128xf32, #tpu.memory_space<vmem>>, vector<16xf32>,
          %mul3A_546 = arith.mulf %add3A_542, %get3A_545 : vector<16xf32>
          %add3A_547 = arith.addf %broadcast_in_dim3A_515, %mul3A_546 : vector<16xf32>
          %get3A_548 = arith.index_cast %add3A_513 : i32 to index
          %get3A_549 = arith.constant 16 : index
          %get3A_550 = tpu.vector_load %arg16[%get3A_548, %get3A_549] {strides = array<i32>} : memref<32x128xf32, #tpu.memory_space<vmem>>, vector<16xf32>,
          %get3A_551 = arith.index_cast %add3A_513 : i32 to index
          %get3A_552 = arith.constant 16 : index
          %get3A_553 = tpu.vector_load %arg17[%get3A_551, %get3A_552] {strides = array<i32>} : memref<32x128xf32, #tpu.memory_space<vmem>>, vector<16xf32>,
          %get3A_554 = arith.index_cast %add3A_513 : i32 to index
          %get3A_555 = arith.constant 16 : index
          %get3A_556 = tpu.vector_load %arg18[%get3A_554, %get3A_555] {strides = array<i32>} : memref<32x128xf32, #tpu.memory_space<vmem>>, vector<16xf32>,
          %get3A_557 = arith.index_cast %add3A_513 : i32 to index
          %get3A_558 = arith.constant 16 : index
          %get3A_559 = tpu.vector_load %arg19[%get3A_557, %get3A_558] {strides = array<i32>} : memref<32x128xf32, #tpu.memory_space<vmem>>, vector<16xf32>,
          %get3A_560 = arith.index_cast %add3A_513 : i32 to index
          %get3A_561 = arith.constant 16 : index
          %get3A_562 = tpu.vector_load %arg20[%get3A_560, %get3A_561] {strides = array<i32>} : memref<32x128xf32, #tpu.memory_space<vmem>>, vector<16xf32>,
          %get3A_563 = arith.index_cast %add3A_513 : i32 to index
          %get3A_564 = arith.constant 16 : index
          %get3A_565 = tpu.vector_load %arg21[%get3A_563, %get3A_564] {strides = array<i32>} : memref<32x128xf32, #tpu.memory_space<vmem>>, vector<16xf32>,
          %mul3A_566 = arith.mulf %get3A_550, %get3A_553 : vector<16xf32>
          %mul3A_567 = arith.mulf %get3A_556, %get3A_559 : vector<16xf32>
          %add3A_568 = arith.addf %mul3A_566, %mul3A_567 : vector<16xf32>
          %mul3A_569 = arith.mulf %get3A_562, %add3A_568 : vector<16xf32>
          %mul3A_570 = arith.mulf %get3A_550, %get3A_559 : vector<16xf32>
          %mul3A_571 = arith.mulf %get3A_556, %get3A_553 : vector<16xf32>
          %sub3A_572 = arith.subf %mul3A_570, %mul3A_571 : vector<16xf32>
          %mul3A_573 = arith.mulf %get3A_565, %sub3A_572 : vector<16xf32>
          %add3A_574 = arith.addf %mul3A_569, %mul3A_573 : vector<16xf32>
          %get3A_575 = arith.index_cast %add3A_513 : i32 to index
          %get3A_576 = arith.constant 16 : index
          %get3A_577 = tpu.vector_load %arg22[%get3A_575, %get3A_576] {strides = array<i32>} : memref<32x128xf32, #tpu.memory_space<vmem>>, vector<16xf32>,
          %mul3A_578 = arith.mulf %add3A_574, %get3A_577 : vector<16xf32>
          %add3A_579 = arith.addf %add3A_547, %mul3A_578 : vector<16xf32>
          %get3A_580 = arith.index_cast %add3A_513 : i32 to index
          %get3A_581 = arith.constant 32 : index
          %get3A_582 = tpu.vector_load %arg16[%get3A_580, %get3A_581] {strides = array<i32>} : memref<32x128xf32, #tpu.memory_space<vmem>>, vector<16xf32>,
          %get3A_583 = arith.index_cast %add3A_513 : i32 to index
          %get3A_584 = arith.constant 32 : index
          %get3A_585 = tpu.vector_load %arg17[%get3A_583, %get3A_584] {strides = array<i32>} : memref<32x128xf32, #tpu.memory_space<vmem>>, vector<16xf32>,
          %get3A_586 = arith.index_cast %add3A_513 : i32 to index
          %get3A_587 = arith.constant 32 : index
          %get3A_588 = tpu.vector_load %arg18[%get3A_586, %get3A_587] {strides = array<i32>} : memref<32x128xf32, #tpu.memory_space<vmem>>, vector<16xf32>,
          %get3A_589 = arith.index_cast %add3A_513 : i32 to index
          %get3A_590 = arith.constant 32 : index
          %get3A_591 = tpu.vector_load %arg19[%get3A_589, %get3A_590] {strides = array<i32>} : memref<32x128xf32, #tpu.memory_space<vmem>>, vector<16xf32>,
          %get3A_592 = arith.index_cast %add3A_513 : i32 to index
          %get3A_593 = arith.constant 32 : index
          %get3A_594 = tpu.vector_load %arg20[%get3A_592, %get3A_593] {strides = array<i32>} : memref<32x128xf32, #tpu.memory_space<vmem>>, vector<16xf32>,
          %get3A_595 = arith.index_cast %add3A_513 : i32 to index
          %get3A_596 = arith.constant 32 : index
          %get3A_597 = tpu.vector_load %arg21[%get3A_595, %get3A_596] {strides = array<i32>} : memref<32x128xf32, #tpu.memory_space<vmem>>, vector<16xf32>,
          %mul3A_598 = arith.mulf %get3A_582, %get3A_585 : vector<16xf32>
          %mul3A_599 = arith.mulf %get3A_588, %get3A_591 : vector<16xf32>
          %add3A_600 = arith.addf %mul3A_598, %mul3A_599 : vector<16xf32>
          %mul3A_601 = arith.mulf %get3A_594, %add3A_600 : vector<16xf32>
          %mul3A_602 = arith.mulf %get3A_582, %get3A_591 : vector<16xf32>
          %mul3A_603 = arith.mulf %get3A_588, %get3A_585 : vector<16xf32>
          %sub3A_604 = arith.subf %mul3A_602, %mul3A_603 : vector<16xf32>
          %mul3A_605 = arith.mulf %get3A_597, %sub3A_604 : vector<16xf32>
          %add3A_606 = arith.addf %mul3A_601, %mul3A_605 : vector<16xf32>
          %get3A_607 = arith.index_cast %add3A_513 : i32 to index
          %get3A_608 = arith.constant 32 : index
          %get3A_609 = tpu.vector_load %arg22[%get3A_607, %get3A_608] {strides = array<i32>} : memref<32x128xf32, #tpu.memory_space<vmem>>, vector<16xf32>,
          %mul3A_610 = arith.mulf %add3A_606, %get3A_609 : vector<16xf32>
          %add3A_611 = arith.addf %add3A_579, %mul3A_610 : vector<16xf32>
          %get3A_612 = arith.index_cast %add3A_513 : i32 to index
          %get3A_613 = arith.constant 48 : index
          %get3A_614 = tpu.vector_load %arg16[%get3A_612, %get3A_613] {strides = array<i32>} : memref<32x128xf32, #tpu.memory_space<vmem>>, vector<16xf32>,
          %get3A_615 = arith.index_cast %add3A_513 : i32 to index
          %get3A_616 = arith.constant 48 : index
          %get3A_617 = tpu.vector_load %arg17[%get3A_615, %get3A_616] {strides = array<i32>} : memref<32x128xf32, #tpu.memory_space<vmem>>, vector<16xf32>,
          %get3A_618 = arith.index_cast %add3A_513 : i32 to index
          %get3A_619 = arith.constant 48 : index
          %get3A_620 = tpu.vector_load %arg18[%get3A_618, %get3A_619] {strides = array<i32>} : memref<32x128xf32, #tpu.memory_space<vmem>>, vector<16xf32>,
          %get3A_621 = arith.index_cast %add3A_513 : i32 to index
          %get3A_622 = arith.constant 48 : index
          %get3A_623 = tpu.vector_load %arg19[%get3A_621, %get3A_622] {strides = array<i32>} : memref<32x128xf32, #tpu.memory_space<vmem>>, vector<16xf32>,
          %get3A_624 = arith.index_cast %add3A_513 : i32 to index
          %get3A_625 = arith.constant 48 : index
          %get3A_626 = tpu.vector_load %arg20[%get3A_624, %get3A_625] {strides = array<i32>} : memref<32x128xf32, #tpu.memory_space<vmem>>, vector<16xf32>,
          %get3A_627 = arith.index_cast %add3A_513 : i32 to index
          %get3A_628 = arith.constant 48 : index
          %get3A_629 = tpu.vector_load %arg21[%get3A_627, %get3A_628] {strides = array<i32>} : memref<32x128xf32, #tpu.memory_space<vmem>>, vector<16xf32>,
          %mul3A_630 = arith.mulf %get3A_614, %get3A_617 : vector<16xf32>
          %mul3A_631 = arith.mulf %get3A_620, %get3A_623 : vector<16xf32>
          %add3A_632 = arith.addf %mul3A_630, %mul3A_631 : vector<16xf32>
          %mul3A_633 = arith.mulf %get3A_626, %add3A_632 : vector<16xf32>
          %mul3A_634 = arith.mulf %get3A_614, %get3A_623 : vector<16xf32>
          %mul3A_635 = arith.mulf %get3A_620, %get3A_617 : vector<16xf32>
          %sub3A_636 = arith.subf %mul3A_634, %mul3A_635 : vector<16xf32>
          %mul3A_637 = arith.mulf %get3A_629, %sub3A_636 : vector<16xf32>
          %add3A_638 = arith.addf %mul3A_633, %mul3A_637 : vector<16xf32>
          %get3A_639 = arith.index_cast %add3A_513 : i32 to index
          %get3A_640 = arith.constant 48 : index
          %get3A_641 = tpu.vector_load %arg22[%get3A_639, %get3A_640] {strides = array<i32>} : memref<32x128xf32, #tpu.memory_space<vmem>>, vector<16xf32>,
          %mul3A_642 = arith.mulf %add3A_638, %get3A_641 : vector<16xf32>
          %add3A_643 = arith.addf %add3A_611, %mul3A_642 : vector<16xf32>
          %get3A_644 = arith.index_cast %add3A_513 : i32 to index
          %get3A_645 = arith.constant 64 : index
          %get3A_646 = tpu.vector_load %arg16[%get3A_644, %get3A_645] {strides = array<i32>} : memref<32x128xf32, #tpu.memory_space<vmem>>, vector<16xf32>,
          %get3A_647 = arith.index_cast %add3A_513 : i32 to index
          %get3A_648 = arith.constant 64 : index
          %get3A_649 = tpu.vector_load %arg17[%get3A_647, %get3A_648] {strides = array<i32>} : memref<32x128xf32, #tpu.memory_space<vmem>>, vector<16xf32>,
          %get3A_650 = arith.index_cast %add3A_513 : i32 to index
          %get3A_651 = arith.constant 64 : index
          %get3A_652 = tpu.vector_load %arg18[%get3A_650, %get3A_651] {strides = array<i32>} : memref<32x128xf32, #tpu.memory_space<vmem>>, vector<16xf32>,
          %get3A_653 = arith.index_cast %add3A_513 : i32 to index
          %get3A_654 = arith.constant 64 : index
          %get3A_655 = tpu.vector_load %arg19[%get3A_653, %get3A_654] {strides = array<i32>} : memref<32x128xf32, #tpu.memory_space<vmem>>, vector<16xf32>,
          %get3A_656 = arith.index_cast %add3A_513 : i32 to index
          %get3A_657 = arith.constant 64 : index
          %get3A_658 = tpu.vector_load %arg20[%get3A_656, %get3A_657] {strides = array<i32>} : memref<32x128xf32, #tpu.memory_space<vmem>>, vector<16xf32>,
          %get3A_659 = arith.index_cast %add3A_513 : i32 to index
          %get3A_660 = arith.constant 64 : index
          %get3A_661 = tpu.vector_load %arg21[%get3A_659, %get3A_660] {strides = array<i32>} : memref<32x128xf32, #tpu.memory_space<vmem>>, vector<16xf32>,
          %mul3A_662 = arith.mulf %get3A_646, %get3A_649 : vector<16xf32>
          %mul3A_663 = arith.mulf %get3A_652, %get3A_655 : vector<16xf32>
          %add3A_664 = arith.addf %mul3A_662, %mul3A_663 : vector<16xf32>
          %mul3A_665 = arith.mulf %get3A_658, %add3A_664 : vector<16xf32>
          %mul3A_666 = arith.mulf %get3A_646, %get3A_655 : vector<16xf32>
          %mul3A_667 = arith.mulf %get3A_652, %get3A_649 : vector<16xf32>
          %sub3A_668 = arith.subf %mul3A_666, %mul3A_667 : vector<16xf32>
          %mul3A_669 = arith.mulf %get3A_661, %sub3A_668 : vector<16xf32>
          %add3A_670 = arith.addf %mul3A_665, %mul3A_669 : vector<16xf32>
          %add3A_671 = arith.addf %add3A_643, %add3A_670 : vector<16xf32>
          %get3A_672 = arith.index_cast %add3A_513 : i32 to index
          %get3A_673 = arith.constant 80 : index
          %get3A_674 = tpu.vector_load %arg16[%get3A_672, %get3A_673] {strides = array<i32>} : memref<32x128xf32, #tpu.memory_space<vmem>>, vector<16xf32>,
          %get3A_675 = arith.index_cast %add3A_513 : i32 to index
          %get3A_676 = arith.constant 80 : index
          %get3A_677 = tpu.vector_load %arg17[%get3A_675, %get3A_676] {strides = array<i32>} : memref<32x128xf32, #tpu.memory_space<vmem>>, vector<16xf32>,
          %get3A_678 = arith.index_cast %add3A_513 : i32 to index
          %get3A_679 = arith.constant 80 : index
          %get3A_680 = tpu.vector_load %arg18[%get3A_678, %get3A_679] {strides = array<i32>} : memref<32x128xf32, #tpu.memory_space<vmem>>, vector<16xf32>,
          %get3A_681 = arith.index_cast %add3A_513 : i32 to index
          %get3A_682 = arith.constant 80 : index
          %get3A_683 = tpu.vector_load %arg19[%get3A_681, %get3A_682] {strides = array<i32>} : memref<32x128xf32, #tpu.memory_space<vmem>>, vector<16xf32>,
          %get3A_684 = arith.index_cast %add3A_513 : i32 to index
          %get3A_685 = arith.constant 80 : index
          %get3A_686 = tpu.vector_load %arg20[%get3A_684, %get3A_685] {strides = array<i32>} : memref<32x128xf32, #tpu.memory_space<vmem>>, vector<16xf32>,
          %get3A_687 = arith.index_cast %add3A_513 : i32 to index
          %get3A_688 = arith.constant 80 : index
          %get3A_689 = tpu.vector_load %arg21[%get3A_687, %get3A_688] {strides = array<i32>} : memref<32x128xf32, #tpu.memory_space<vmem>>, vector<16xf32>,
          %mul3A_690 = arith.mulf %get3A_674, %get3A_677 : vector<16xf32>
          %mul3A_691 = arith.mulf %get3A_680, %get3A_683 : vector<16xf32>
          %add3A_692 = arith.addf %mul3A_690, %mul3A_691 : vector<16xf32>
          %mul3A_693 = arith.mulf %get3A_686, %add3A_692 : vector<16xf32>
          %mul3A_694 = arith.mulf %get3A_674, %get3A_683 : vector<16xf32>
          %mul3A_695 = arith.mulf %get3A_680, %get3A_677 : vector<16xf32>
          %sub3A_696 = arith.subf %mul3A_694, %mul3A_695 : vector<16xf32>
          %mul3A_697 = arith.mulf %get3A_689, %sub3A_696 : vector<16xf32>
          %add3A_698 = arith.addf %mul3A_693, %mul3A_697 : vector<16xf32>
          %add3A_699 = arith.addf %add3A_671, %add3A_698 : vector<16xf32>
          %get3A_700 = arith.index_cast %add3A_513 : i32 to index
          %get3A_701 = arith.constant 96 : index
          %get3A_702 = tpu.vector_load %arg16[%get3A_700, %get3A_701] {strides = array<i32>} : memref<32x128xf32, #tpu.memory_space<vmem>>, vector<16xf32>,
          %get3A_703 = arith.index_cast %add3A_513 : i32 to index
          %get3A_704 = arith.constant 96 : index
          %get3A_705 = tpu.vector_load %arg17[%get3A_703, %get3A_704] {strides = array<i32>} : memref<32x128xf32, #tpu.memory_space<vmem>>, vector<16xf32>,
          %get3A_706 = arith.index_cast %add3A_513 : i32 to index
          %get3A_707 = arith.constant 96 : index
          %get3A_708 = tpu.vector_load %arg18[%get3A_706, %get3A_707] {strides = array<i32>} : memref<32x128xf32, #tpu.memory_space<vmem>>, vector<16xf32>,
          %get3A_709 = arith.index_cast %add3A_513 : i32 to index
          %get3A_710 = arith.constant 96 : index
          %get3A_711 = tpu.vector_load %arg19[%get3A_709, %get3A_710] {strides = array<i32>} : memref<32x128xf32, #tpu.memory_space<vmem>>, vector<16xf32>,
          %get3A_712 = arith.index_cast %add3A_513 : i32 to index
          %get3A_713 = arith.constant 96 : index
          %get3A_714 = tpu.vector_load %arg20[%get3A_712, %get3A_713] {strides = array<i32>} : memref<32x128xf32, #tpu.memory_space<vmem>>, vector<16xf32>,
          %get3A_715 = arith.index_cast %add3A_513 : i32 to index
          %get3A_716 = arith.constant 96 : index
          %get3A_717 = tpu.vector_load %arg21[%get3A_715, %get3A_716] {strides = array<i32>} : memref<32x128xf32, #tpu.memory_space<vmem>>, vector<16xf32>,
          %mul3A_718 = arith.mulf %get3A_702, %get3A_705 : vector<16xf32>
          %mul3A_719 = arith.mulf %get3A_708, %get3A_711 : vector<16xf32>
          %add3A_720 = arith.addf %mul3A_718, %mul3A_719 : vector<16xf32>
          %mul3A_721 = arith.mulf %get3A_714, %add3A_720 : vector<16xf32>
          %mul3A_722 = arith.mulf %get3A_702, %get3A_711 : vector<16xf32>
          %mul3A_723 = arith.mulf %get3A_708, %get3A_705 : vector<16xf32>
          %sub3A_724 = arith.subf %mul3A_722, %mul3A_723 : vector<16xf32>
          %mul3A_725 = arith.mulf %get3A_717, %sub3A_724 : vector<16xf32>
          %add3A_726 = arith.addf %mul3A_721, %mul3A_725 : vector<16xf32>
          %add3A_727 = arith.addf %add3A_699, %add3A_726 : vector<16xf32>
          %get3A_728 = arith.index_cast %add3A_513 : i32 to index
          %get3A_729 = arith.constant 112 : index
          %get3A_730 = tpu.vector_load %arg16[%get3A_728, %get3A_729] {strides = array<i32>} : memref<32x128xf32, #tpu.memory_space<vmem>>, vector<16xf32>,
          %get3A_731 = arith.index_cast %add3A_513 : i32 to index
          %get3A_732 = arith.constant 112 : index
          %get3A_733 = tpu.vector_load %arg17[%get3A_731, %get3A_732] {strides = array<i32>} : memref<32x128xf32, #tpu.memory_space<vmem>>, vector<16xf32>,
          %get3A_734 = arith.index_cast %add3A_513 : i32 to index
          %get3A_735 = arith.constant 112 : index
          %get3A_736 = tpu.vector_load %arg18[%get3A_734, %get3A_735] {strides = array<i32>} : memref<32x128xf32, #tpu.memory_space<vmem>>, vector<16xf32>,
          %get3A_737 = arith.index_cast %add3A_513 : i32 to index
          %get3A_738 = arith.constant 112 : index
          %get3A_739 = tpu.vector_load %arg19[%get3A_737, %get3A_738] {strides = array<i32>} : memref<32x128xf32, #tpu.memory_space<vmem>>, vector<16xf32>,
          %get3A_740 = arith.index_cast %add3A_513 : i32 to index
          %get3A_741 = arith.constant 112 : index
          %get3A_742 = tpu.vector_load %arg20[%get3A_740, %get3A_741] {strides = array<i32>} : memref<32x128xf32, #tpu.memory_space<vmem>>, vector<16xf32>,
          %get3A_743 = arith.index_cast %add3A_513 : i32 to index
          %get3A_744 = arith.constant 112 : index
          %get3A_745 = tpu.vector_load %arg21[%get3A_743, %get3A_744] {strides = array<i32>} : memref<32x128xf32, #tpu.memory_space<vmem>>, vector<16xf32>,
          %mul3A_746 = arith.mulf %get3A_730, %get3A_733 : vector<16xf32>
          %mul3A_747 = arith.mulf %get3A_736, %get3A_739 : vector<16xf32>
          %add3A_748 = arith.addf %mul3A_746, %mul3A_747 : vector<16xf32>
          %mul3A_749 = arith.mulf %get3A_742, %add3A_748 : vector<16xf32>
          %mul3A_750 = arith.mulf %get3A_730, %get3A_739 : vector<16xf32>
          %mul3A_751 = arith.mulf %get3A_736, %get3A_733 : vector<16xf32>
          %sub3A_752 = arith.subf %mul3A_750, %mul3A_751 : vector<16xf32>
          %mul3A_753 = arith.mulf %get3A_745, %sub3A_752 : vector<16xf32>
          %add3A_754 = arith.addf %mul3A_749, %mul3A_753 : vector<16xf32>
          %add3A_755 = arith.addf %add3A_727, %add3A_754 : vector<16xf32>
          %mul3A_756 = arith.constant 24 : i32
          %mul3A_757 = arith.muli %scan3A_510, %mul3A_756 : i32
          %swap3A_758 = arith.index_cast %mul3A_757 : i32 to index
          %swap3A_759 = tpu.vector_load %arg30[%swap3A_758] {strides = array<i32>} : memref<384xf32, #tpu.memory_space<vmem>>, vector<16xf32>,
          tpu.vector_store %arg30[%swap3A_758], %add3A_755 {strides = array<i32>} : memref<384xf32, #tpu.memory_space<vmem>>, vector<16xf32>,
          %scan3A_760 = arith.constant 0 : i32
          scf.yield %scan3A_760 : i32
        }
        %scan3A_171 = arith.constant 16 : i32
        %broadcast_in_dim3A = arith.constant 0.000000e+00 : f32
        %broadcast_in_dim3A_172 = vector.broadcast %broadcast_in_dim3A : f32 to vector<16xf32>
        %mul3A_173 = arith.constant 24 : i32
        %mul3A_174 = vector.broadcast %mul3A_173 : i32 to vector<16xi32>
        %mul3A_175 = arith.muli %iota3A, %mul3A_174 : vector<16xi32>
        %add3A_176 = arith.constant 0 : i32
        %add3A_177 = vector.broadcast %add3A_176 : i32 to vector<16xi32>
        %add3A_178 = arith.addi %mul3A_175, %add3A_177 : vector<16xi32>
        %gather3A = tpu.vector_load_idx %arg30[%add3A_178] : memref<384xf32, #tpu.memory_space<vmem>>[vector<16xi32>], vector<16xf32>,
        %add3A_179 = arith.addf %broadcast_in_dim3A_172, %gather3A : vector<16xf32>
        %add3A_180 = arith.constant 1 : i32
        %add3A_181 = vector.broadcast %add3A_180 : i32 to vector<16xi32>
        %add3A_182 = arith.addi %mul3A_175, %add3A_181 : vector<16xi32>
        %gather3A_183 = tpu.vector_load_idx %arg30[%add3A_182] : memref<384xf32, #tpu.memory_space<vmem>>[vector<16xi32>], vector<16xf32>,
        %add3A_184 = arith.addf %add3A_179, %gather3A_183 : vector<16xf32>
        %add3A_185 = arith.constant 2 : i32
        %add3A_186 = vector.broadcast %add3A_185 : i32 to vector<16xi32>
        %add3A_187 = arith.addi %mul3A_175, %add3A_186 : vector<16xi32>
        %gather3A_188 = tpu.vector_load_idx %arg30[%add3A_187] : memref<384xf32, #tpu.memory_space<vmem>>[vector<16xi32>], vector<16xf32>,
        %add3A_189 = arith.addf %add3A_184, %gather3A_188 : vector<16xf32>
        %add3A_190 = arith.constant 3 : i32
        %add3A_191 = vector.broadcast %add3A_190 : i32 to vector<16xi32>
        %add3A_192 = arith.addi %mul3A_175, %add3A_191 : vector<16xi32>
        %gather3A_193 = tpu.vector_load_idx %arg30[%add3A_192] : memref<384xf32, #tpu.memory_space<vmem>>[vector<16xi32>], vector<16xf32>,
        %add3A_194 = arith.addf %add3A_189, %gather3A_193 : vector<16xf32>
        %add3A_195 = arith.constant 4 : i32
        %add3A_196 = vector.broadcast %add3A_195 : i32 to vector<16xi32>
        %add3A_197 = arith.addi %mul3A_175, %add3A_196 : vector<16xi32>
        %gather3A_198 = tpu.vector_load_idx %arg30[%add3A_197] : memref<384xf32, #tpu.memory_space<vmem>>[vector<16xi32>], vector<16xf32>,
        %add3A_199 = arith.addf %add3A_194, %gather3A_198 : vector<16xf32>
        %add3A_200 = arith.constant 5 : i32
        %add3A_201 = vector.broadcast %add3A_200 : i32 to vector<16xi32>
        %add3A_202 = arith.addi %mul3A_175, %add3A_201 : vector<16xi32>
        %gather3A_203 = tpu.vector_load_idx %arg30[%add3A_202] : memref<384xf32, #tpu.memory_space<vmem>>[vector<16xi32>], vector<16xf32>,
        %add3A_204 = arith.addf %add3A_199, %gather3A_203 : vector<16xf32>
        %add3A_205 = arith.constant 6 : i32
        %add3A_206 = vector.broadcast %add3A_205 : i32 to vector<16xi32>
        %add3A_207 = arith.addi %mul3A_175, %add3A_206 : vector<16xi32>
        %gather3A_208 = tpu.vector_load_idx %arg30[%add3A_207] : memref<384xf32, #tpu.memory_space<vmem>>[vector<16xi32>], vector<16xf32>,
        %add3A_209 = arith.addf %add3A_204, %gather3A_208 : vector<16xf32>
        %add3A_210 = arith.constant 7 : i32
        %add3A_211 = vector.broadcast %add3A_210 : i32 to vector<16xi32>
        %add3A_212 = arith.addi %mul3A_175, %add3A_211 : vector<16xi32>
        %gather3A_213 = tpu.vector_load_idx %arg30[%add3A_212] : memref<384xf32, #tpu.memory_space<vmem>>[vector<16xi32>], vector<16xf32>,
        %add3A_214 = arith.addf %add3A_209, %gather3A_213 : vector<16xf32>
        %add3A_215 = arith.constant 8 : i32
        %add3A_216 = vector.broadcast %add3A_215 : i32 to vector<16xi32>
        %add3A_217 = arith.addi %mul3A_175, %add3A_216 : vector<16xi32>
        %gather3A_218 = tpu.vector_load_idx %arg30[%add3A_217] : memref<384xf32, #tpu.memory_space<vmem>>[vector<16xi32>], vector<16xf32>,
        %add3A_219 = arith.addf %add3A_214, %gather3A_218 : vector<16xf32>
        %add3A_220 = arith.constant 9 : i32
        %add3A_221 = vector.broadcast %add3A_220 : i32 to vector<16xi32>
        %add3A_222 = arith.addi %mul3A_175, %add3A_221 : vector<16xi32>
        %gather3A_223 = tpu.vector_load_idx %arg30[%add3A_222] : memref<384xf32, #tpu.memory_space<vmem>>[vector<16xi32>], vector<16xf32>,
        %add3A_224 = arith.addf %add3A_219, %gather3A_223 : vector<16xf32>
        %add3A_225 = arith.constant 10 : i32
        %add3A_226 = vector.broadcast %add3A_225 : i32 to vector<16xi32>
        %add3A_227 = arith.addi %mul3A_175, %add3A_226 : vector<16xi32>
        %gather3A_228 = tpu.vector_load_idx %arg30[%add3A_227] : memref<384xf32, #tpu.memory_space<vmem>>[vector<16xi32>], vector<16xf32>,
        %add3A_229 = arith.addf %add3A_224, %gather3A_228 : vector<16xf32>
        %add3A_230 = arith.constant 11 : i32
        %add3A_231 = vector.broadcast %add3A_230 : i32 to vector<16xi32>
        %add3A_232 = arith.addi %mul3A_175, %add3A_231 : vector<16xi32>
        %gather3A_233 = tpu.vector_load_idx %arg30[%add3A_232] : memref<384xf32, #tpu.memory_space<vmem>>[vector<16xi32>], vector<16xf32>,
        %add3A_234 = arith.addf %add3A_229, %gather3A_233 : vector<16xf32>
        %add3A_235 = arith.constant 12 : i32
        %add3A_236 = vector.broadcast %add3A_235 : i32 to vector<16xi32>
        %add3A_237 = arith.addi %mul3A_175, %add3A_236 : vector<16xi32>
        %gather3A_238 = tpu.vector_load_idx %arg30[%add3A_237] : memref<384xf32, #tpu.memory_space<vmem>>[vector<16xi32>], vector<16xf32>,
        %add3A_239 = arith.addf %add3A_234, %gather3A_238 : vector<16xf32>
        %add3A_240 = arith.constant 13 : i32
        %add3A_241 = vector.broadcast %add3A_240 : i32 to vector<16xi32>
        %add3A_242 = arith.addi %mul3A_175, %add3A_241 : vector<16xi32>
        %gather3A_243 = tpu.vector_load_idx %arg30[%add3A_242] : memref<384xf32, #tpu.memory_space<vmem>>[vector<16xi32>], vector<16xf32>,
        %add3A_244 = arith.addf %add3A_239, %gather3A_243 : vector<16xf32>
        %add3A_245 = arith.constant 14 : i32
        %add3A_246 = vector.broadcast %add3A_245 : i32 to vector<16xi32>
        %add3A_247 = arith.addi %mul3A_175, %add3A_246 : vector<16xi32>
        %gather3A_248 = tpu.vector_load_idx %arg30[%add3A_247] : memref<384xf32, #tpu.memory_space<vmem>>[vector<16xi32>], vector<16xf32>,
        %add3A_249 = arith.addf %add3A_244, %gather3A_248 : vector<16xf32>
        %add3A_250 = arith.constant 15 : i32
        %add3A_251 = vector.broadcast %add3A_250 : i32 to vector<16xi32>
        %add3A_252 = arith.addi %mul3A_175, %add3A_251 : vector<16xi32>
        %gather3A_253 = tpu.vector_load_idx %arg30[%add3A_252] : memref<384xf32, #tpu.memory_space<vmem>>[vector<16xi32>], vector<16xf32>,
        %add3A_254 = arith.addf %add3A_249, %gather3A_253 : vector<16xf32>
        %mul3A_255 = arith.constant 16 : i32
        %mul3A_256 = arith.muli %scan3A_164, %mul3A_255 : i32
        %add3A_257 = arith.addi %mul3A_104, %mul3A_256 : i32
        %swap3A = arith.index_cast %add3A_257 : i32 to index
        %swap3A_258 = tpu.vector_load %arg31[%swap3A] {strides = array<i32>} : memref<512xf32, #tpu.memory_space<vmem>>, vector<16xf32>,
        tpu.vector_store %arg31[%swap3A], %add3A_254 {strides = array<i32>} : memref<512xf32, #tpu.memory_space<vmem>>, vector<16xf32>,
      }
      %scan3A_109 = arith.constant 2 : i32
      %mul3A_110 = arith.constant 2 : i32
      %mul3A_111 = arith.muli %scan3A_58, %mul3A_110 : i32
      %add3A_112 = arith.constant 1 : i32
      %add3A_113 = arith.addi %mul3A_111, %add3A_112 : i32
      %dma_wait3A_114 = arith.constant 0 : i32
      %dma_wait3A_115 = tpu.memref_slice %arg12[%dma_wait3A_114] : memref<512xi32, #tpu.memory_space<vmem>> -> memref<32xi32, #tpu.memory_space<vmem>>
      %dma_wait3A_116 = arith.constant 0 : i32
      %dma_wait3A_117 = arith.constant 0 : i32
      %dma_wait3A_118 = tpu.memref_slice %arg6[%dma_wait3A_116, %dma_wait3A_117] : memref<100000x128xf32, #tpu.memory_space<hbm>> -> memref<100000x128xf32, #tpu.memory_space<hbm>>
      tpu.wait_indirect_dma semaphore(%arg33 : memref<!tpu.dma_semaphore, #tpu.memory_space<semaphore_mem>>) src(%dma_wait3A_118 : memref<100000x128xf32, #tpu.memory_space<hbm>>) dst(%arg23 : memref<32x128xf32, #tpu.memory_space<vmem>>)
      %dma_wait3A_119 = arith.constant 0 : i32
      %dma_wait3A_120 = tpu.memref_slice %arg14[%dma_wait3A_119] : memref<512xi32, #tpu.memory_space<vmem>> -> memref<32xi32, #tpu.memory_space<vmem>>
      %dma_wait3A_121 = arith.constant 0 : i32
      %dma_wait3A_122 = arith.constant 0 : i32
      %dma_wait3A_123 = tpu.memref_slice %arg7[%dma_wait3A_121, %dma_wait3A_122] : memref<100000x128xf32, #tpu.memory_space<hbm>> -> memref<100000x128xf32, #tpu.memory_space<hbm>>
      tpu.wait_indirect_dma semaphore(%arg33 : memref<!tpu.dma_semaphore, #tpu.memory_space<semaphore_mem>>) src(%dma_wait3A_123 : memref<100000x128xf32, #tpu.memory_space<hbm>>) dst(%arg24 : memref<32x128xf32, #tpu.memory_space<vmem>>)
      %dma_wait3A_124 = arith.constant 0 : i32
      %dma_wait3A_125 = tpu.memref_slice %arg14[%dma_wait3A_124] : memref<512xi32, #tpu.memory_space<vmem>> -> memref<32xi32, #tpu.memory_space<vmem>>
      %dma_wait3A_126 = arith.constant 0 : i32
      %dma_wait3A_127 = arith.constant 0 : i32
      %dma_wait3A_128 = tpu.memref_slice %arg6[%dma_wait3A_126, %dma_wait3A_127] : memref<100000x128xf32, #tpu.memory_space<hbm>> -> memref<100000x128xf32, #tpu.memory_space<hbm>>
      tpu.wait_indirect_dma semaphore(%arg33 : memref<!tpu.dma_semaphore, #tpu.memory_space<semaphore_mem>>) src(%dma_wait3A_128 : memref<100000x128xf32, #tpu.memory_space<hbm>>) dst(%arg25 : memref<32x128xf32, #tpu.memory_space<vmem>>)
      %dma_wait3A_129 = arith.constant 0 : i32
      %dma_wait3A_130 = tpu.memref_slice %arg12[%dma_wait3A_129] : memref<512xi32, #tpu.memory_space<vmem>> -> memref<32xi32, #tpu.memory_space<vmem>>
      %dma_wait3A_131 = arith.constant 0 : i32
      %dma_wait3A_132 = arith.constant 0 : i32
      %dma_wait3A_133 = tpu.memref_slice %arg7[%dma_wait3A_131, %dma_wait3A_132] : memref<100000x128xf32, #tpu.memory_space<hbm>> -> memref<100000x128xf32, #tpu.memory_space<hbm>>
      tpu.wait_indirect_dma semaphore(%arg33 : memref<!tpu.dma_semaphore, #tpu.memory_space<semaphore_mem>>) src(%dma_wait3A_133 : memref<100000x128xf32, #tpu.memory_space<hbm>>) dst(%arg26 : memref<32x128xf32, #tpu.memory_space<vmem>>)
      %dma_wait3A_134 = arith.constant 0 : i32
      %dma_wait3A_135 = tpu.memref_slice %arg13[%dma_wait3A_134] : memref<512xi32, #tpu.memory_space<vmem>> -> memref<32xi32, #tpu.memory_space<vmem>>
      %dma_wait3A_136 = arith.constant 0 : i32
      %dma_wait3A_137 = arith.constant 0 : i32
      %dma_wait3A_138 = tpu.memref_slice %arg8[%dma_wait3A_136, %dma_wait3A_137] : memref<1000x128xf32, #tpu.memory_space<hbm>> -> memref<1000x128xf32, #tpu.memory_space<hbm>>
      tpu.wait_indirect_dma semaphore(%arg33 : memref<!tpu.dma_semaphore, #tpu.memory_space<semaphore_mem>>) src(%dma_wait3A_138 : memref<1000x128xf32, #tpu.memory_space<hbm>>) dst(%arg27 : memref<32x128xf32, #tpu.memory_space<vmem>>)
      %dma_wait3A_139 = arith.constant 0 : i32
      %dma_wait3A_140 = tpu.memref_slice %arg13[%dma_wait3A_139] : memref<512xi32, #tpu.memory_space<vmem>> -> memref<32xi32, #tpu.memory_space<vmem>>
      %dma_wait3A_141 = arith.constant 0 : i32
      %dma_wait3A_142 = arith.constant 0 : i32
      %dma_wait3A_143 = tpu.memref_slice %arg9[%dma_wait3A_141, %dma_wait3A_142] : memref<1000x128xf32, #tpu.memory_space<hbm>> -> memref<1000x128xf32, #tpu.memory_space<hbm>>
      tpu.wait_indirect_dma semaphore(%arg33 : memref<!tpu.dma_semaphore, #tpu.memory_space<semaphore_mem>>) src(%dma_wait3A_143 : memref<1000x128xf32, #tpu.memory_space<hbm>>) dst(%arg28 : memref<32x128xf32, #tpu.memory_space<vmem>>)
      %dma_wait3A_144 = arith.constant 0 : i32
      %dma_wait3A_145 = tpu.memref_slice %arg15[%dma_wait3A_144] : memref<512xi32, #tpu.memory_space<vmem>> -> memref<32xi32, #tpu.memory_space<vmem>>
      %dma_wait3A_146 = arith.constant 0 : i32
      %dma_wait3A_147 = arith.constant 0 : i32
      %dma_wait3A_148 = tpu.memref_slice %arg10[%dma_wait3A_146, %dma_wait3A_147] : memref<1000x128xf32, #tpu.memory_space<hbm>> -> memref<1000x128xf32, #tpu.memory_space<hbm>>
      tpu.wait_indirect_dma semaphore(%arg33 : memref<!tpu.dma_semaphore, #tpu.memory_space<semaphore_mem>>) src(%dma_wait3A_148 : memref<1000x128xf32, #tpu.memory_space<hbm>>) dst(%arg29 : memref<32x128xf32, #tpu.memory_space<vmem>>)
      %add3A_149 = arith.constant 1 : i32
      %add3A_150 = arith.addi %add3A_113, %add3A_149 : i32
      %lt3A_151 = arith.constant 16 : i32
      %lt3A_152 = arith.cmpi slt, %add3A_150, %lt3A_151 : i32
      %convert_element_type3A_153 = arith.extui %lt3A_152 : i1 to i32
      %cond3A_154 = arith.constant 0 : i32
      %cond3A_155 = arith.cmpi ne, %convert_element_type3A_153, %cond3A_154 : i32
      scf.if %cond3A_155 {
        %add3A_164 = arith.constant 1 : i32
        %add3A_165 = arith.addi %add3A_113, %add3A_164 : i32
        %mul3A_166 = arith.constant 32 : i32
        %mul3A_167 = arith.muli %add3A_165, %mul3A_166 : i32
        %dma_start3A_168 = tpu.memref_slice %arg12[%mul3A_167] : memref<512xi32, #tpu.memory_space<vmem>> -> memref<32xi32, #tpu.memory_space<vmem>>
        %dma_start3A_169 = arith.constant 0 : i32
        %dma_start3A_170 = arith.constant 0 : i32
        %dma_start3A_171 = tpu.memref_slice %arg6[%dma_start3A_169, %dma_start3A_170] : memref<100000x128xf32, #tpu.memory_space<hbm>> -> memref<100000x128xf32, #tpu.memory_space<hbm>>
        tpu.enqueue_indirect_dma source(%dma_start3A_171 : memref<100000x128xf32, #tpu.memory_space<hbm>>) target(%arg16 : memref<32x128xf32, #tpu.memory_space<vmem>>) offsets(%dma_start3A_168 : memref<32xi32, #tpu.memory_space<vmem>>) semaphore(%arg32 : memref<!tpu.dma_semaphore, #tpu.memory_space<semaphore_mem>>)
        %dma_start3A_172 = tpu.memref_slice %arg14[%mul3A_167] : memref<512xi32, #tpu.memory_space<vmem>> -> memref<32xi32, #tpu.memory_space<vmem>>
        %dma_start3A_173 = arith.constant 0 : i32
        %dma_start3A_174 = arith.constant 0 : i32
        %dma_start3A_175 = tpu.memref_slice %arg7[%dma_start3A_173, %dma_start3A_174] : memref<100000x128xf32, #tpu.memory_space<hbm>> -> memref<100000x128xf32, #tpu.memory_space<hbm>>
        tpu.enqueue_indirect_dma source(%dma_start3A_175 : memref<100000x128xf32, #tpu.memory_space<hbm>>) target(%arg17 : memref<32x128xf32, #tpu.memory_space<vmem>>) offsets(%dma_start3A_172 : memref<32xi32, #tpu.memory_space<vmem>>) semaphore(%arg32 : memref<!tpu.dma_semaphore, #tpu.memory_space<semaphore_mem>>)
        %dma_start3A_176 = tpu.memref_slice %arg14[%mul3A_167] : memref<512xi32, #tpu.memory_space<vmem>> -> memref<32xi32, #tpu.memory_space<vmem>>
        %dma_start3A_177 = arith.constant 0 : i32
        %dma_start3A_178 = arith.constant 0 : i32
        %dma_start3A_179 = tpu.memref_slice %arg6[%dma_start3A_177, %dma_start3A_178] : memref<100000x128xf32, #tpu.memory_space<hbm>> -> memref<100000x128xf32, #tpu.memory_space<hbm>>
        tpu.enqueue_indirect_dma source(%dma_start3A_179 : memref<100000x128xf32, #tpu.memory_space<hbm>>) target(%arg18 : memref<32x128xf32, #tpu.memory_space<vmem>>) offsets(%dma_start3A_176 : memref<32xi32, #tpu.memory_space<vmem>>) semaphore(%arg32 : memref<!tpu.dma_semaphore, #tpu.memory_space<semaphore_mem>>)
        %dma_start3A_180 = tpu.memref_slice %arg12[%mul3A_167] : memref<512xi32, #tpu.memory_space<vmem>> -> memref<32xi32, #tpu.memory_space<vmem>>
        %dma_start3A_181 = arith.constant 0 : i32
        %dma_start3A_182 = arith.constant 0 : i32
        %dma_start3A_183 = tpu.memref_slice %arg7[%dma_start3A_181, %dma_start3A_182] : memref<100000x128xf32, #tpu.memory_space<hbm>> -> memref<100000x128xf32, #tpu.memory_space<hbm>>
        tpu.enqueue_indirect_dma source(%dma_start3A_183 : memref<100000x128xf32, #tpu.memory_space<hbm>>) target(%arg19 : memref<32x128xf32, #tpu.memory_space<vmem>>) offsets(%dma_start3A_180 : memref<32xi32, #tpu.memory_space<vmem>>) semaphore(%arg32 : memref<!tpu.dma_semaphore, #tpu.memory_space<semaphore_mem>>)
        %dma_start3A_184 = tpu.memref_slice %arg13[%mul3A_167] : memref<512xi32, #tpu.memory_space<vmem>> -> memref<32xi32, #tpu.memory_space<vmem>>
        %dma_start3A_185 = arith.constant 0 : i32
        %dma_start3A_186 = arith.constant 0 : i32
        %dma_start3A_187 = tpu.memref_slice %arg8[%dma_start3A_185, %dma_start3A_186] : memref<1000x128xf32, #tpu.memory_space<hbm>> -> memref<1000x128xf32, #tpu.memory_space<hbm>>
        tpu.enqueue_indirect_dma source(%dma_start3A_187 : memref<1000x128xf32, #tpu.memory_space<hbm>>) target(%arg20 : memref<32x128xf32, #tpu.memory_space<vmem>>) offsets(%dma_start3A_184 : memref<32xi32, #tpu.memory_space<vmem>>) semaphore(%arg32 : memref<!tpu.dma_semaphore, #tpu.memory_space<semaphore_mem>>)
        %dma_start3A_188 = tpu.memref_slice %arg13[%mul3A_167] : memref<512xi32, #tpu.memory_space<vmem>> -> memref<32xi32, #tpu.memory_space<vmem>>
        %dma_start3A_189 = arith.constant 0 : i32
        %dma_start3A_190 = arith.constant 0 : i32
        %dma_start3A_191 = tpu.memref_slice %arg9[%dma_start3A_189, %dma_start3A_190] : memref<1000x128xf32, #tpu.memory_space<hbm>> -> memref<1000x128xf32, #tpu.memory_space<hbm>>
        tpu.enqueue_indirect_dma source(%dma_start3A_191 : memref<1000x128xf32, #tpu.memory_space<hbm>>) target(%arg21 : memref<32x128xf32, #tpu.memory_space<vmem>>) offsets(%dma_start3A_188 : memref<32xi32, #tpu.memory_space<vmem>>) semaphore(%arg32 : memref<!tpu.dma_semaphore, #tpu.memory_space<semaphore_mem>>)
        %dma_start3A_192 = tpu.memref_slice %arg15[%mul3A_167] : memref<512xi32, #tpu.memory_space<vmem>> -> memref<32xi32, #tpu.memory_space<vmem>>
        %dma_start3A_193 = arith.constant 0 : i32
        %dma_start3A_194 = arith.constant 0 : i32
        %dma_start3A_195 = tpu.memref_slice %arg10[%dma_start3A_193, %dma_start3A_194] : memref<1000x128xf32, #tpu.memory_space<hbm>> -> memref<1000x128xf32, #tpu.memory_space<hbm>>
        tpu.enqueue_indirect_dma source(%dma_start3A_195 : memref<1000x128xf32, #tpu.memory_space<hbm>>) target(%arg22 : memref<32x128xf32, #tpu.memory_space<vmem>>) offsets(%dma_start3A_192 : memref<32xi32, #tpu.memory_space<vmem>>) semaphore(%arg32 : memref<!tpu.dma_semaphore, #tpu.memory_space<semaphore_mem>>)
      } else {
      }
      %mul3A_156 = arith.constant 32 : i32
      %mul3A_157 = arith.muli %add3A_113, %mul3A_156 : i32
      %scan3A_158 = arith.constant 0 : i32
      %scan3A_159 = arith.constant 2 : i32
      %scan3A_160 = arith.addi %scan3A_158, %scan3A_159 : i32
      %scan3A_161 = arith.constant 1 : i32
      scf.for %scan3A_164 = %scan3A_158 to %scan3A_160 step %scan3A_161  : i32 {
        %scan3A_165 = arith.constant 0 : i32
        %scan3A_166 = arith.constant 0 : i32
        %scan3A_167 = arith.constant 16 : i32
        %scan3A_168 = arith.addi %scan3A_166, %scan3A_167 : i32
        %scan3A_169 = arith.constant 2 : i32
        %scan3A_170 = scf.for %scan3A_259 = %scan3A_166 to %scan3A_168 step %scan3A_169 iter_args(%scan3A_260 = %scan3A_165) -> (i32)  : i32 {
          %mul3A_261 = arith.constant 16 : i32
          %mul3A_262 = arith.muli %scan3A_164, %mul3A_261 : i32
          %add3A_263 = arith.addi %mul3A_262, %scan3A_259 : i32
          %broadcast_in_dim3A_264 = arith.constant 0.000000e+00 : f32
          %broadcast_in_dim3A_265 = vector.broadcast %broadcast_in_dim3A_264 : f32 to vector<16xf32>
          %get3A = arith.index_cast %add3A_263 : i32 to index
          %get3A_266 = arith.constant 0 : index
          %get3A_267 = tpu.vector_load %arg23[%get3A, %get3A_266] {strides = array<i32>} : memref<32x128xf32, #tpu.memory_space<vmem>>, vector<16xf32>,
          %get3A_268 = arith.index_cast %add3A_263 : i32 to index
          %get3A_269 = arith.constant 0 : index
          %get3A_270 = tpu.vector_load %arg24[%get3A_268, %get3A_269] {strides = array<i32>} : memref<32x128xf32, #tpu.memory_space<vmem>>, vector<16xf32>,
          %get3A_271 = arith.index_cast %add3A_263 : i32 to index
          %get3A_272 = arith.constant 0 : index
          %get3A_273 = tpu.vector_load %arg25[%get3A_271, %get3A_272] {strides = array<i32>} : memref<32x128xf32, #tpu.memory_space<vmem>>, vector<16xf32>,
          %get3A_274 = arith.index_cast %add3A_263 : i32 to index
          %get3A_275 = arith.constant 0 : index
          %get3A_276 = tpu.vector_load %arg26[%get3A_274, %get3A_275] {strides = array<i32>} : memref<32x128xf32, #tpu.memory_space<vmem>>, vector<16xf32>,
          %get3A_277 = arith.index_cast %add3A_263 : i32 to index
          %get3A_278 = arith.constant 0 : index
          %get3A_279 = tpu.vector_load %arg27[%get3A_277, %get3A_278] {strides = array<i32>} : memref<32x128xf32, #tpu.memory_space<vmem>>, vector<16xf32>,
          %get3A_280 = arith.index_cast %add3A_263 : i32 to index
          %get3A_281 = arith.constant 0 : index
          %get3A_282 = tpu.vector_load %arg28[%get3A_280, %get3A_281] {strides = array<i32>} : memref<32x128xf32, #tpu.memory_space<vmem>>, vector<16xf32>,
          %mul3A_283 = arith.mulf %get3A_267, %get3A_270 : vector<16xf32>
          %mul3A_284 = arith.mulf %get3A_273, %get3A_276 : vector<16xf32>
          %add3A_285 = arith.addf %mul3A_283, %mul3A_284 : vector<16xf32>
          %mul3A_286 = arith.mulf %get3A_279, %add3A_285 : vector<16xf32>
          %mul3A_287 = arith.mulf %get3A_267, %get3A_276 : vector<16xf32>
          %mul3A_288 = arith.mulf %get3A_273, %get3A_270 : vector<16xf32>
          %sub3A = arith.subf %mul3A_287, %mul3A_288 : vector<16xf32>
          %mul3A_289 = arith.mulf %get3A_282, %sub3A : vector<16xf32>
          %add3A_290 = arith.addf %mul3A_286, %mul3A_289 : vector<16xf32>
          %get3A_291 = arith.index_cast %add3A_263 : i32 to index
          %get3A_292 = arith.constant 0 : index
          %get3A_293 = tpu.vector_load %arg29[%get3A_291, %get3A_292] {strides = array<i32>} : memref<32x128xf32, #tpu.memory_space<vmem>>, vector<16xf32>,
          %mul3A_294 = arith.mulf %add3A_290, %get3A_293 : vector<16xf32>
          %add3A_295 = arith.addf %broadcast_in_dim3A_265, %mul3A_294 : vector<16xf32>
          %get3A_296 = arith.index_cast %add3A_263 : i32 to index
          %get3A_297 = arith.constant 16 : index
          %get3A_298 = tpu.vector_load %arg23[%get3A_296, %get3A_297] {strides = array<i32>} : memref<32x128xf32, #tpu.memory_space<vmem>>, vector<16xf32>,
          %get3A_299 = arith.index_cast %add3A_263 : i32 to index
          %get3A_300 = arith.constant 16 : index
          %get3A_301 = tpu.vector_load %arg24[%get3A_299, %get3A_300] {strides = array<i32>} : memref<32x128xf32, #tpu.memory_space<vmem>>, vector<16xf32>,
          %get3A_302 = arith.index_cast %add3A_263 : i32 to index
          %get3A_303 = arith.constant 16 : index
          %get3A_304 = tpu.vector_load %arg25[%get3A_302, %get3A_303] {strides = array<i32>} : memref<32x128xf32, #tpu.memory_space<vmem>>, vector<16xf32>,
          %get3A_305 = arith.index_cast %add3A_263 : i32 to index
          %get3A_306 = arith.constant 16 : index
          %get3A_307 = tpu.vector_load %arg26[%get3A_305, %get3A_306] {strides = array<i32>} : memref<32x128xf32, #tpu.memory_space<vmem>>, vector<16xf32>,
          %get3A_308 = arith.index_cast %add3A_263 : i32 to index
          %get3A_309 = arith.constant 16 : index
          %get3A_310 = tpu.vector_load %arg27[%get3A_308, %get3A_309] {strides = array<i32>} : memref<32x128xf32, #tpu.memory_space<vmem>>, vector<16xf32>,
          %get3A_311 = arith.index_cast %add3A_263 : i32 to index
          %get3A_312 = arith.constant 16 : index
          %get3A_313 = tpu.vector_load %arg28[%get3A_311, %get3A_312] {strides = array<i32>} : memref<32x128xf32, #tpu.memory_space<vmem>>, vector<16xf32>,
          %mul3A_314 = arith.mulf %get3A_298, %get3A_301 : vector<16xf32>
          %mul3A_315 = arith.mulf %get3A_304, %get3A_307 : vector<16xf32>
          %add3A_316 = arith.addf %mul3A_314, %mul3A_315 : vector<16xf32>
          %mul3A_317 = arith.mulf %get3A_310, %add3A_316 : vector<16xf32>
          %mul3A_318 = arith.mulf %get3A_298, %get3A_307 : vector<16xf32>
          %mul3A_319 = arith.mulf %get3A_304, %get3A_301 : vector<16xf32>
          %sub3A_320 = arith.subf %mul3A_318, %mul3A_319 : vector<16xf32>
          %mul3A_321 = arith.mulf %get3A_313, %sub3A_320 : vector<16xf32>
          %add3A_322 = arith.addf %mul3A_317, %mul3A_321 : vector<16xf32>
          %get3A_323 = arith.index_cast %add3A_263 : i32 to index
          %get3A_324 = arith.constant 16 : index
          %get3A_325 = tpu.vector_load %arg29[%get3A_323, %get3A_324] {strides = array<i32>} : memref<32x128xf32, #tpu.memory_space<vmem>>, vector<16xf32>,
          %mul3A_326 = arith.mulf %add3A_322, %get3A_325 : vector<16xf32>
          %add3A_327 = arith.addf %add3A_295, %mul3A_326 : vector<16xf32>
          %get3A_328 = arith.index_cast %add3A_263 : i32 to index
          %get3A_329 = arith.constant 32 : index
          %get3A_330 = tpu.vector_load %arg23[%get3A_328, %get3A_329] {strides = array<i32>} : memref<32x128xf32, #tpu.memory_space<vmem>>, vector<16xf32>,
          %get3A_331 = arith.index_cast %add3A_263 : i32 to index
          %get3A_332 = arith.constant 32 : index
          %get3A_333 = tpu.vector_load %arg24[%get3A_331, %get3A_332] {strides = array<i32>} : memref<32x128xf32, #tpu.memory_space<vmem>>, vector<16xf32>,
          %get3A_334 = arith.index_cast %add3A_263 : i32 to index
          %get3A_335 = arith.constant 32 : index
          %get3A_336 = tpu.vector_load %arg25[%get3A_334, %get3A_335] {strides = array<i32>} : memref<32x128xf32, #tpu.memory_space<vmem>>, vector<16xf32>,
          %get3A_337 = arith.index_cast %add3A_263 : i32 to index
          %get3A_338 = arith.constant 32 : index
          %get3A_339 = tpu.vector_load %arg26[%get3A_337, %get3A_338] {strides = array<i32>} : memref<32x128xf32, #tpu.memory_space<vmem>>, vector<16xf32>,
          %get3A_340 = arith.index_cast %add3A_263 : i32 to index
          %get3A_341 = arith.constant 32 : index
          %get3A_342 = tpu.vector_load %arg27[%get3A_340, %get3A_341] {strides = array<i32>} : memref<32x128xf32, #tpu.memory_space<vmem>>, vector<16xf32>,
          %get3A_343 = arith.index_cast %add3A_263 : i32 to index
          %get3A_344 = arith.constant 32 : index
          %get3A_345 = tpu.vector_load %arg28[%get3A_343, %get3A_344] {strides = array<i32>} : memref<32x128xf32, #tpu.memory_space<vmem>>, vector<16xf32>,
          %mul3A_346 = arith.mulf %get3A_330, %get3A_333 : vector<16xf32>
          %mul3A_347 = arith.mulf %get3A_336, %get3A_339 : vector<16xf32>
          %add3A_348 = arith.addf %mul3A_346, %mul3A_347 : vector<16xf32>
          %mul3A_349 = arith.mulf %get3A_342, %add3A_348 : vector<16xf32>
          %mul3A_350 = arith.mulf %get3A_330, %get3A_339 : vector<16xf32>
          %mul3A_351 = arith.mulf %get3A_336, %get3A_333 : vector<16xf32>
          %sub3A_352 = arith.subf %mul3A_350, %mul3A_351 : vector<16xf32>
          %mul3A_353 = arith.mulf %get3A_345, %sub3A_352 : vector<16xf32>
          %add3A_354 = arith.addf %mul3A_349, %mul3A_353 : vector<16xf32>
          %get3A_355 = arith.index_cast %add3A_263 : i32 to index
          %get3A_356 = arith.constant 32 : index
          %get3A_357 = tpu.vector_load %arg29[%get3A_355, %get3A_356] {strides = array<i32>} : memref<32x128xf32, #tpu.memory_space<vmem>>, vector<16xf32>,
          %mul3A_358 = arith.mulf %add3A_354, %get3A_357 : vector<16xf32>
          %add3A_359 = arith.addf %add3A_327, %mul3A_358 : vector<16xf32>
          %get3A_360 = arith.index_cast %add3A_263 : i32 to index
          %get3A_361 = arith.constant 48 : index
          %get3A_362 = tpu.vector_load %arg23[%get3A_360, %get3A_361] {strides = array<i32>} : memref<32x128xf32, #tpu.memory_space<vmem>>, vector<16xf32>,
          %get3A_363 = arith.index_cast %add3A_263 : i32 to index
          %get3A_364 = arith.constant 48 : index
          %get3A_365 = tpu.vector_load %arg24[%get3A_363, %get3A_364] {strides = array<i32>} : memref<32x128xf32, #tpu.memory_space<vmem>>, vector<16xf32>,
          %get3A_366 = arith.index_cast %add3A_263 : i32 to index
          %get3A_367 = arith.constant 48 : index
          %get3A_368 = tpu.vector_load %arg25[%get3A_366, %get3A_367] {strides = array<i32>} : memref<32x128xf32, #tpu.memory_space<vmem>>, vector<16xf32>,
          %get3A_369 = arith.index_cast %add3A_263 : i32 to index
          %get3A_370 = arith.constant 48 : index
          %get3A_371 = tpu.vector_load %arg26[%get3A_369, %get3A_370] {strides = array<i32>} : memref<32x128xf32, #tpu.memory_space<vmem>>, vector<16xf32>,
          %get3A_372 = arith.index_cast %add3A_263 : i32 to index
          %get3A_373 = arith.constant 48 : index
          %get3A_374 = tpu.vector_load %arg27[%get3A_372, %get3A_373] {strides = array<i32>} : memref<32x128xf32, #tpu.memory_space<vmem>>, vector<16xf32>,
          %get3A_375 = arith.index_cast %add3A_263 : i32 to index
          %get3A_376 = arith.constant 48 : index
          %get3A_377 = tpu.vector_load %arg28[%get3A_375, %get3A_376] {strides = array<i32>} : memref<32x128xf32, #tpu.memory_space<vmem>>, vector<16xf32>,
          %mul3A_378 = arith.mulf %get3A_362, %get3A_365 : vector<16xf32>
          %mul3A_379 = arith.mulf %get3A_368, %get3A_371 : vector<16xf32>
          %add3A_380 = arith.addf %mul3A_378, %mul3A_379 : vector<16xf32>
          %mul3A_381 = arith.mulf %get3A_374, %add3A_380 : vector<16xf32>
          %mul3A_382 = arith.mulf %get3A_362, %get3A_371 : vector<16xf32>
          %mul3A_383 = arith.mulf %get3A_368, %get3A_365 : vector<16xf32>
          %sub3A_384 = arith.subf %mul3A_382, %mul3A_383 : vector<16xf32>
          %mul3A_385 = arith.mulf %get3A_377, %sub3A_384 : vector<16xf32>
          %add3A_386 = arith.addf %mul3A_381, %mul3A_385 : vector<16xf32>
          %get3A_387 = arith.index_cast %add3A_263 : i32 to index
          %get3A_388 = arith.constant 48 : index
          %get3A_389 = tpu.vector_load %arg29[%get3A_387, %get3A_388] {strides = array<i32>} : memref<32x128xf32, #tpu.memory_space<vmem>>, vector<16xf32>,
          %mul3A_390 = arith.mulf %add3A_386, %get3A_389 : vector<16xf32>
          %add3A_391 = arith.addf %add3A_359, %mul3A_390 : vector<16xf32>
          %get3A_392 = arith.index_cast %add3A_263 : i32 to index
          %get3A_393 = arith.constant 64 : index
          %get3A_394 = tpu.vector_load %arg23[%get3A_392, %get3A_393] {strides = array<i32>} : memref<32x128xf32, #tpu.memory_space<vmem>>, vector<16xf32>,
          %get3A_395 = arith.index_cast %add3A_263 : i32 to index
          %get3A_396 = arith.constant 64 : index
          %get3A_397 = tpu.vector_load %arg24[%get3A_395, %get3A_396] {strides = array<i32>} : memref<32x128xf32, #tpu.memory_space<vmem>>, vector<16xf32>,
          %get3A_398 = arith.index_cast %add3A_263 : i32 to index
          %get3A_399 = arith.constant 64 : index
          %get3A_400 = tpu.vector_load %arg25[%get3A_398, %get3A_399] {strides = array<i32>} : memref<32x128xf32, #tpu.memory_space<vmem>>, vector<16xf32>,
          %get3A_401 = arith.index_cast %add3A_263 : i32 to index
          %get3A_402 = arith.constant 64 : index
          %get3A_403 = tpu.vector_load %arg26[%get3A_401, %get3A_402] {strides = array<i32>} : memref<32x128xf32, #tpu.memory_space<vmem>>, vector<16xf32>,
          %get3A_404 = arith.index_cast %add3A_263 : i32 to index
          %get3A_405 = arith.constant 64 : index
          %get3A_406 = tpu.vector_load %arg27[%get3A_404, %get3A_405] {strides = array<i32>} : memref<32x128xf32, #tpu.memory_space<vmem>>, vector<16xf32>,
          %get3A_407 = arith.index_cast %add3A_263 : i32 to index
          %get3A_408 = arith.constant 64 : index
          %get3A_409 = tpu.vector_load %arg28[%get3A_407, %get3A_408] {strides = array<i32>} : memref<32x128xf32, #tpu.memory_space<vmem>>, vector<16xf32>,
          %mul3A_410 = arith.mulf %get3A_394, %get3A_397 : vector<16xf32>
          %mul3A_411 = arith.mulf %get3A_400, %get3A_403 : vector<16xf32>
          %add3A_412 = arith.addf %mul3A_410, %mul3A_411 : vector<16xf32>
          %mul3A_413 = arith.mulf %get3A_406, %add3A_412 : vector<16xf32>
          %mul3A_414 = arith.mulf %get3A_394, %get3A_403 : vector<16xf32>
          %mul3A_415 = arith.mulf %get3A_400, %get3A_397 : vector<16xf32>
          %sub3A_416 = arith.subf %mul3A_414, %mul3A_415 : vector<16xf32>
          %mul3A_417 = arith.mulf %get3A_409, %sub3A_416 : vector<16xf32>
          %add3A_418 = arith.addf %mul3A_413, %mul3A_417 : vector<16xf32>
          %add3A_419 = arith.addf %add3A_391, %add3A_418 : vector<16xf32>
          %get3A_420 = arith.index_cast %add3A_263 : i32 to index
          %get3A_421 = arith.constant 80 : index
          %get3A_422 = tpu.vector_load %arg23[%get3A_420, %get3A_421] {strides = array<i32>} : memref<32x128xf32, #tpu.memory_space<vmem>>, vector<16xf32>,
          %get3A_423 = arith.index_cast %add3A_263 : i32 to index
          %get3A_424 = arith.constant 80 : index
          %get3A_425 = tpu.vector_load %arg24[%get3A_423, %get3A_424] {strides = array<i32>} : memref<32x128xf32, #tpu.memory_space<vmem>>, vector<16xf32>,
          %get3A_426 = arith.index_cast %add3A_263 : i32 to index
          %get3A_427 = arith.constant 80 : index
          %get3A_428 = tpu.vector_load %arg25[%get3A_426, %get3A_427] {strides = array<i32>} : memref<32x128xf32, #tpu.memory_space<vmem>>, vector<16xf32>,
          %get3A_429 = arith.index_cast %add3A_263 : i32 to index
          %get3A_430 = arith.constant 80 : index
          %get3A_431 = tpu.vector_load %arg26[%get3A_429, %get3A_430] {strides = array<i32>} : memref<32x128xf32, #tpu.memory_space<vmem>>, vector<16xf32>,
          %get3A_432 = arith.index_cast %add3A_263 : i32 to index
          %get3A_433 = arith.constant 80 : index
          %get3A_434 = tpu.vector_load %arg27[%get3A_432, %get3A_433] {strides = array<i32>} : memref<32x128xf32, #tpu.memory_space<vmem>>, vector<16xf32>,
          %get3A_435 = arith.index_cast %add3A_263 : i32 to index
          %get3A_436 = arith.constant 80 : index
          %get3A_437 = tpu.vector_load %arg28[%get3A_435, %get3A_436] {strides = array<i32>} : memref<32x128xf32, #tpu.memory_space<vmem>>, vector<16xf32>,
          %mul3A_438 = arith.mulf %get3A_422, %get3A_425 : vector<16xf32>
          %mul3A_439 = arith.mulf %get3A_428, %get3A_431 : vector<16xf32>
          %add3A_440 = arith.addf %mul3A_438, %mul3A_439 : vector<16xf32>
          %mul3A_441 = arith.mulf %get3A_434, %add3A_440 : vector<16xf32>
          %mul3A_442 = arith.mulf %get3A_422, %get3A_431 : vector<16xf32>
          %mul3A_443 = arith.mulf %get3A_428, %get3A_425 : vector<16xf32>
          %sub3A_444 = arith.subf %mul3A_442, %mul3A_443 : vector<16xf32>
          %mul3A_445 = arith.mulf %get3A_437, %sub3A_444 : vector<16xf32>
          %add3A_446 = arith.addf %mul3A_441, %mul3A_445 : vector<16xf32>
          %add3A_447 = arith.addf %add3A_419, %add3A_446 : vector<16xf32>
          %get3A_448 = arith.index_cast %add3A_263 : i32 to index
          %get3A_449 = arith.constant 96 : index
          %get3A_450 = tpu.vector_load %arg23[%get3A_448, %get3A_449] {strides = array<i32>} : memref<32x128xf32, #tpu.memory_space<vmem>>, vector<16xf32>,
          %get3A_451 = arith.index_cast %add3A_263 : i32 to index
          %get3A_452 = arith.constant 96 : index
          %get3A_453 = tpu.vector_load %arg24[%get3A_451, %get3A_452] {strides = array<i32>} : memref<32x128xf32, #tpu.memory_space<vmem>>, vector<16xf32>,
          %get3A_454 = arith.index_cast %add3A_263 : i32 to index
          %get3A_455 = arith.constant 96 : index
          %get3A_456 = tpu.vector_load %arg25[%get3A_454, %get3A_455] {strides = array<i32>} : memref<32x128xf32, #tpu.memory_space<vmem>>, vector<16xf32>,
          %get3A_457 = arith.index_cast %add3A_263 : i32 to index
          %get3A_458 = arith.constant 96 : index
          %get3A_459 = tpu.vector_load %arg26[%get3A_457, %get3A_458] {strides = array<i32>} : memref<32x128xf32, #tpu.memory_space<vmem>>, vector<16xf32>,
          %get3A_460 = arith.index_cast %add3A_263 : i32 to index
          %get3A_461 = arith.constant 96 : index
          %get3A_462 = tpu.vector_load %arg27[%get3A_460, %get3A_461] {strides = array<i32>} : memref<32x128xf32, #tpu.memory_space<vmem>>, vector<16xf32>,
          %get3A_463 = arith.index_cast %add3A_263 : i32 to index
          %get3A_464 = arith.constant 96 : index
          %get3A_465 = tpu.vector_load %arg28[%get3A_463, %get3A_464] {strides = array<i32>} : memref<32x128xf32, #tpu.memory_space<vmem>>, vector<16xf32>,
          %mul3A_466 = arith.mulf %get3A_450, %get3A_453 : vector<16xf32>
          %mul3A_467 = arith.mulf %get3A_456, %get3A_459 : vector<16xf32>
          %add3A_468 = arith.addf %mul3A_466, %mul3A_467 : vector<16xf32>
          %mul3A_469 = arith.mulf %get3A_462, %add3A_468 : vector<16xf32>
          %mul3A_470 = arith.mulf %get3A_450, %get3A_459 : vector<16xf32>
          %mul3A_471 = arith.mulf %get3A_456, %get3A_453 : vector<16xf32>
          %sub3A_472 = arith.subf %mul3A_470, %mul3A_471 : vector<16xf32>
          %mul3A_473 = arith.mulf %get3A_465, %sub3A_472 : vector<16xf32>
          %add3A_474 = arith.addf %mul3A_469, %mul3A_473 : vector<16xf32>
          %add3A_475 = arith.addf %add3A_447, %add3A_474 : vector<16xf32>
          %get3A_476 = arith.index_cast %add3A_263 : i32 to index
          %get3A_477 = arith.constant 112 : index
          %get3A_478 = tpu.vector_load %arg23[%get3A_476, %get3A_477] {strides = array<i32>} : memref<32x128xf32, #tpu.memory_space<vmem>>, vector<16xf32>,
          %get3A_479 = arith.index_cast %add3A_263 : i32 to index
          %get3A_480 = arith.constant 112 : index
          %get3A_481 = tpu.vector_load %arg24[%get3A_479, %get3A_480] {strides = array<i32>} : memref<32x128xf32, #tpu.memory_space<vmem>>, vector<16xf32>,
          %get3A_482 = arith.index_cast %add3A_263 : i32 to index
          %get3A_483 = arith.constant 112 : index
          %get3A_484 = tpu.vector_load %arg25[%get3A_482, %get3A_483] {strides = array<i32>} : memref<32x128xf32, #tpu.memory_space<vmem>>, vector<16xf32>,
          %get3A_485 = arith.index_cast %add3A_263 : i32 to index
          %get3A_486 = arith.constant 112 : index
          %get3A_487 = tpu.vector_load %arg26[%get3A_485, %get3A_486] {strides = array<i32>} : memref<32x128xf32, #tpu.memory_space<vmem>>, vector<16xf32>,
          %get3A_488 = arith.index_cast %add3A_263 : i32 to index
          %get3A_489 = arith.constant 112 : index
          %get3A_490 = tpu.vector_load %arg27[%get3A_488, %get3A_489] {strides = array<i32>} : memref<32x128xf32, #tpu.memory_space<vmem>>, vector<16xf32>,
          %get3A_491 = arith.index_cast %add3A_263 : i32 to index
          %get3A_492 = arith.constant 112 : index
          %get3A_493 = tpu.vector_load %arg28[%get3A_491, %get3A_492] {strides = array<i32>} : memref<32x128xf32, #tpu.memory_space<vmem>>, vector<16xf32>,
          %mul3A_494 = arith.mulf %get3A_478, %get3A_481 : vector<16xf32>
          %mul3A_495 = arith.mulf %get3A_484, %get3A_487 : vector<16xf32>
          %add3A_496 = arith.addf %mul3A_494, %mul3A_495 : vector<16xf32>
          %mul3A_497 = arith.mulf %get3A_490, %add3A_496 : vector<16xf32>
          %mul3A_498 = arith.mulf %get3A_478, %get3A_487 : vector<16xf32>
          %mul3A_499 = arith.mulf %get3A_484, %get3A_481 : vector<16xf32>
          %sub3A_500 = arith.subf %mul3A_498, %mul3A_499 : vector<16xf32>
          %mul3A_501 = arith.mulf %get3A_493, %sub3A_500 : vector<16xf32>
          %add3A_502 = arith.addf %mul3A_497, %mul3A_501 : vector<16xf32>
          %add3A_503 = arith.addf %add3A_475, %add3A_502 : vector<16xf32>
          %mul3A_504 = arith.constant 24 : i32
          %mul3A_505 = arith.muli %scan3A_259, %mul3A_504 : i32
          %swap3A_506 = arith.index_cast %mul3A_505 : i32 to index
          %swap3A_507 = tpu.vector_load %arg30[%swap3A_506] {strides = array<i32>} : memref<384xf32, #tpu.memory_space<vmem>>, vector<16xf32>,
          tpu.vector_store %arg30[%swap3A_506], %add3A_503 {strides = array<i32>} : memref<384xf32, #tpu.memory_space<vmem>>, vector<16xf32>,
          %scan3A_508 = arith.constant 0 : i32
          %scan3A_509 = arith.constant 1 : i32
          %scan3A_510 = arith.addi %scan3A_259, %scan3A_509 : i32
          %mul3A_511 = arith.constant 16 : i32
          %mul3A_512 = arith.muli %scan3A_164, %mul3A_511 : i32
          %add3A_513 = arith.addi %mul3A_512, %scan3A_510 : i32
          %broadcast_in_dim3A_514 = arith.constant 0.000000e+00 : f32
          %broadcast_in_dim3A_515 = vector.broadcast %broadcast_in_dim3A_514 : f32 to vector<16xf32>
          %get3A_516 = arith.index_cast %add3A_513 : i32 to index
          %get3A_517 = arith.constant 0 : index
          %get3A_518 = tpu.vector_load %arg23[%get3A_516, %get3A_517] {strides = array<i32>} : memref<32x128xf32, #tpu.memory_space<vmem>>, vector<16xf32>,
          %get3A_519 = arith.index_cast %add3A_513 : i32 to index
          %get3A_520 = arith.constant 0 : index
          %get3A_521 = tpu.vector_load %arg24[%get3A_519, %get3A_520] {strides = array<i32>} : memref<32x128xf32, #tpu.memory_space<vmem>>, vector<16xf32>,
          %get3A_522 = arith.index_cast %add3A_513 : i32 to index
          %get3A_523 = arith.constant 0 : index
          %get3A_524 = tpu.vector_load %arg25[%get3A_522, %get3A_523] {strides = array<i32>} : memref<32x128xf32, #tpu.memory_space<vmem>>, vector<16xf32>,
          %get3A_525 = arith.index_cast %add3A_513 : i32 to index
          %get3A_526 = arith.constant 0 : index
          %get3A_527 = tpu.vector_load %arg26[%get3A_525, %get3A_526] {strides = array<i32>} : memref<32x128xf32, #tpu.memory_space<vmem>>, vector<16xf32>,
          %get3A_528 = arith.index_cast %add3A_513 : i32 to index
          %get3A_529 = arith.constant 0 : index
          %get3A_530 = tpu.vector_load %arg27[%get3A_528, %get3A_529] {strides = array<i32>} : memref<32x128xf32, #tpu.memory_space<vmem>>, vector<16xf32>,
          %get3A_531 = arith.index_cast %add3A_513 : i32 to index
          %get3A_532 = arith.constant 0 : index
          %get3A_533 = tpu.vector_load %arg28[%get3A_531, %get3A_532] {strides = array<i32>} : memref<32x128xf32, #tpu.memory_space<vmem>>, vector<16xf32>,
          %mul3A_534 = arith.mulf %get3A_518, %get3A_521 : vector<16xf32>
          %mul3A_535 = arith.mulf %get3A_524, %get3A_527 : vector<16xf32>
          %add3A_536 = arith.addf %mul3A_534, %mul3A_535 : vector<16xf32>
          %mul3A_537 = arith.mulf %get3A_530, %add3A_536 : vector<16xf32>
          %mul3A_538 = arith.mulf %get3A_518, %get3A_527 : vector<16xf32>
          %mul3A_539 = arith.mulf %get3A_524, %get3A_521 : vector<16xf32>
          %sub3A_540 = arith.subf %mul3A_538, %mul3A_539 : vector<16xf32>
          %mul3A_541 = arith.mulf %get3A_533, %sub3A_540 : vector<16xf32>
          %add3A_542 = arith.addf %mul3A_537, %mul3A_541 : vector<16xf32>
          %get3A_543 = arith.index_cast %add3A_513 : i32 to index
          %get3A_544 = arith.constant 0 : index
          %get3A_545 = tpu.vector_load %arg29[%get3A_543, %get3A_544] {strides = array<i32>} : memref<32x128xf32, #tpu.memory_space<vmem>>, vector<16xf32>,
          %mul3A_546 = arith.mulf %add3A_542, %get3A_545 : vector<16xf32>
          %add3A_547 = arith.addf %broadcast_in_dim3A_515, %mul3A_546 : vector<16xf32>
          %get3A_548 = arith.index_cast %add3A_513 : i32 to index
          %get3A_549 = arith.constant 16 : index
          %get3A_550 = tpu.vector_load %arg23[%get3A_548, %get3A_549] {strides = array<i32>} : memref<32x128xf32, #tpu.memory_space<vmem>>, vector<16xf32>,
          %get3A_551 = arith.index_cast %add3A_513 : i32 to index
          %get3A_552 = arith.constant 16 : index
          %get3A_553 = tpu.vector_load %arg24[%get3A_551, %get3A_552] {strides = array<i32>} : memref<32x128xf32, #tpu.memory_space<vmem>>, vector<16xf32>,
          %get3A_554 = arith.index_cast %add3A_513 : i32 to index
          %get3A_555 = arith.constant 16 : index
          %get3A_556 = tpu.vector_load %arg25[%get3A_554, %get3A_555] {strides = array<i32>} : memref<32x128xf32, #tpu.memory_space<vmem>>, vector<16xf32>,
          %get3A_557 = arith.index_cast %add3A_513 : i32 to index
          %get3A_558 = arith.constant 16 : index
          %get3A_559 = tpu.vector_load %arg26[%get3A_557, %get3A_558] {strides = array<i32>} : memref<32x128xf32, #tpu.memory_space<vmem>>, vector<16xf32>,
          %get3A_560 = arith.index_cast %add3A_513 : i32 to index
          %get3A_561 = arith.constant 16 : index
          %get3A_562 = tpu.vector_load %arg27[%get3A_560, %get3A_561] {strides = array<i32>} : memref<32x128xf32, #tpu.memory_space<vmem>>, vector<16xf32>,
          %get3A_563 = arith.index_cast %add3A_513 : i32 to index
          %get3A_564 = arith.constant 16 : index
          %get3A_565 = tpu.vector_load %arg28[%get3A_563, %get3A_564] {strides = array<i32>} : memref<32x128xf32, #tpu.memory_space<vmem>>, vector<16xf32>,
          %mul3A_566 = arith.mulf %get3A_550, %get3A_553 : vector<16xf32>
          %mul3A_567 = arith.mulf %get3A_556, %get3A_559 : vector<16xf32>
          %add3A_568 = arith.addf %mul3A_566, %mul3A_567 : vector<16xf32>
          %mul3A_569 = arith.mulf %get3A_562, %add3A_568 : vector<16xf32>
          %mul3A_570 = arith.mulf %get3A_550, %get3A_559 : vector<16xf32>
          %mul3A_571 = arith.mulf %get3A_556, %get3A_553 : vector<16xf32>
          %sub3A_572 = arith.subf %mul3A_570, %mul3A_571 : vector<16xf32>
          %mul3A_573 = arith.mulf %get3A_565, %sub3A_572 : vector<16xf32>
          %add3A_574 = arith.addf %mul3A_569, %mul3A_573 : vector<16xf32>
          %get3A_575 = arith.index_cast %add3A_513 : i32 to index
          %get3A_576 = arith.constant 16 : index
          %get3A_577 = tpu.vector_load %arg29[%get3A_575, %get3A_576] {strides = array<i32>} : memref<32x128xf32, #tpu.memory_space<vmem>>, vector<16xf32>,
          %mul3A_578 = arith.mulf %add3A_574, %get3A_577 : vector<16xf32>
          %add3A_579 = arith.addf %add3A_547, %mul3A_578 : vector<16xf32>
          %get3A_580 = arith.index_cast %add3A_513 : i32 to index
          %get3A_581 = arith.constant 32 : index
          %get3A_582 = tpu.vector_load %arg23[%get3A_580, %get3A_581] {strides = array<i32>} : memref<32x128xf32, #tpu.memory_space<vmem>>, vector<16xf32>,
          %get3A_583 = arith.index_cast %add3A_513 : i32 to index
          %get3A_584 = arith.constant 32 : index
          %get3A_585 = tpu.vector_load %arg24[%get3A_583, %get3A_584] {strides = array<i32>} : memref<32x128xf32, #tpu.memory_space<vmem>>, vector<16xf32>,
          %get3A_586 = arith.index_cast %add3A_513 : i32 to index
          %get3A_587 = arith.constant 32 : index
          %get3A_588 = tpu.vector_load %arg25[%get3A_586, %get3A_587] {strides = array<i32>} : memref<32x128xf32, #tpu.memory_space<vmem>>, vector<16xf32>,
          %get3A_589 = arith.index_cast %add3A_513 : i32 to index
          %get3A_590 = arith.constant 32 : index
          %get3A_591 = tpu.vector_load %arg26[%get3A_589, %get3A_590] {strides = array<i32>} : memref<32x128xf32, #tpu.memory_space<vmem>>, vector<16xf32>,
          %get3A_592 = arith.index_cast %add3A_513 : i32 to index
          %get3A_593 = arith.constant 32 : index
          %get3A_594 = tpu.vector_load %arg27[%get3A_592, %get3A_593] {strides = array<i32>} : memref<32x128xf32, #tpu.memory_space<vmem>>, vector<16xf32>,
          %get3A_595 = arith.index_cast %add3A_513 : i32 to index
          %get3A_596 = arith.constant 32 : index
          %get3A_597 = tpu.vector_load %arg28[%get3A_595, %get3A_596] {strides = array<i32>} : memref<32x128xf32, #tpu.memory_space<vmem>>, vector<16xf32>,
          %mul3A_598 = arith.mulf %get3A_582, %get3A_585 : vector<16xf32>
          %mul3A_599 = arith.mulf %get3A_588, %get3A_591 : vector<16xf32>
          %add3A_600 = arith.addf %mul3A_598, %mul3A_599 : vector<16xf32>
          %mul3A_601 = arith.mulf %get3A_594, %add3A_600 : vector<16xf32>
          %mul3A_602 = arith.mulf %get3A_582, %get3A_591 : vector<16xf32>
          %mul3A_603 = arith.mulf %get3A_588, %get3A_585 : vector<16xf32>
          %sub3A_604 = arith.subf %mul3A_602, %mul3A_603 : vector<16xf32>
          %mul3A_605 = arith.mulf %get3A_597, %sub3A_604 : vector<16xf32>
          %add3A_606 = arith.addf %mul3A_601, %mul3A_605 : vector<16xf32>
          %get3A_607 = arith.index_cast %add3A_513 : i32 to index
          %get3A_608 = arith.constant 32 : index
          %get3A_609 = tpu.vector_load %arg29[%get3A_607, %get3A_608] {strides = array<i32>} : memref<32x128xf32, #tpu.memory_space<vmem>>, vector<16xf32>,
          %mul3A_610 = arith.mulf %add3A_606, %get3A_609 : vector<16xf32>
          %add3A_611 = arith.addf %add3A_579, %mul3A_610 : vector<16xf32>
          %get3A_612 = arith.index_cast %add3A_513 : i32 to index
          %get3A_613 = arith.constant 48 : index
          %get3A_614 = tpu.vector_load %arg23[%get3A_612, %get3A_613] {strides = array<i32>} : memref<32x128xf32, #tpu.memory_space<vmem>>, vector<16xf32>,
          %get3A_615 = arith.index_cast %add3A_513 : i32 to index
          %get3A_616 = arith.constant 48 : index
          %get3A_617 = tpu.vector_load %arg24[%get3A_615, %get3A_616] {strides = array<i32>} : memref<32x128xf32, #tpu.memory_space<vmem>>, vector<16xf32>,
          %get3A_618 = arith.index_cast %add3A_513 : i32 to index
          %get3A_619 = arith.constant 48 : index
          %get3A_620 = tpu.vector_load %arg25[%get3A_618, %get3A_619] {strides = array<i32>} : memref<32x128xf32, #tpu.memory_space<vmem>>, vector<16xf32>,
          %get3A_621 = arith.index_cast %add3A_513 : i32 to index
          %get3A_622 = arith.constant 48 : index
          %get3A_623 = tpu.vector_load %arg26[%get3A_621, %get3A_622] {strides = array<i32>} : memref<32x128xf32, #tpu.memory_space<vmem>>, vector<16xf32>,
          %get3A_624 = arith.index_cast %add3A_513 : i32 to index
          %get3A_625 = arith.constant 48 : index
          %get3A_626 = tpu.vector_load %arg27[%get3A_624, %get3A_625] {strides = array<i32>} : memref<32x128xf32, #tpu.memory_space<vmem>>, vector<16xf32>,
          %get3A_627 = arith.index_cast %add3A_513 : i32 to index
          %get3A_628 = arith.constant 48 : index
          %get3A_629 = tpu.vector_load %arg28[%get3A_627, %get3A_628] {strides = array<i32>} : memref<32x128xf32, #tpu.memory_space<vmem>>, vector<16xf32>,
          %mul3A_630 = arith.mulf %get3A_614, %get3A_617 : vector<16xf32>
          %mul3A_631 = arith.mulf %get3A_620, %get3A_623 : vector<16xf32>
          %add3A_632 = arith.addf %mul3A_630, %mul3A_631 : vector<16xf32>
          %mul3A_633 = arith.mulf %get3A_626, %add3A_632 : vector<16xf32>
          %mul3A_634 = arith.mulf %get3A_614, %get3A_623 : vector<16xf32>
          %mul3A_635 = arith.mulf %get3A_620, %get3A_617 : vector<16xf32>
          %sub3A_636 = arith.subf %mul3A_634, %mul3A_635 : vector<16xf32>
          %mul3A_637 = arith.mulf %get3A_629, %sub3A_636 : vector<16xf32>
          %add3A_638 = arith.addf %mul3A_633, %mul3A_637 : vector<16xf32>
          %get3A_639 = arith.index_cast %add3A_513 : i32 to index
          %get3A_640 = arith.constant 48 : index
          %get3A_641 = tpu.vector_load %arg29[%get3A_639, %get3A_640] {strides = array<i32>} : memref<32x128xf32, #tpu.memory_space<vmem>>, vector<16xf32>,
          %mul3A_642 = arith.mulf %add3A_638, %get3A_641 : vector<16xf32>
          %add3A_643 = arith.addf %add3A_611, %mul3A_642 : vector<16xf32>
          %get3A_644 = arith.index_cast %add3A_513 : i32 to index
          %get3A_645 = arith.constant 64 : index
          %get3A_646 = tpu.vector_load %arg23[%get3A_644, %get3A_645] {strides = array<i32>} : memref<32x128xf32, #tpu.memory_space<vmem>>, vector<16xf32>,
          %get3A_647 = arith.index_cast %add3A_513 : i32 to index
          %get3A_648 = arith.constant 64 : index
          %get3A_649 = tpu.vector_load %arg24[%get3A_647, %get3A_648] {strides = array<i32>} : memref<32x128xf32, #tpu.memory_space<vmem>>, vector<16xf32>,
          %get3A_650 = arith.index_cast %add3A_513 : i32 to index
          %get3A_651 = arith.constant 64 : index
          %get3A_652 = tpu.vector_load %arg25[%get3A_650, %get3A_651] {strides = array<i32>} : memref<32x128xf32, #tpu.memory_space<vmem>>, vector<16xf32>,
          %get3A_653 = arith.index_cast %add3A_513 : i32 to index
          %get3A_654 = arith.constant 64 : index
          %get3A_655 = tpu.vector_load %arg26[%get3A_653, %get3A_654] {strides = array<i32>} : memref<32x128xf32, #tpu.memory_space<vmem>>, vector<16xf32>,
          %get3A_656 = arith.index_cast %add3A_513 : i32 to index
          %get3A_657 = arith.constant 64 : index
          %get3A_658 = tpu.vector_load %arg27[%get3A_656, %get3A_657] {strides = array<i32>} : memref<32x128xf32, #tpu.memory_space<vmem>>, vector<16xf32>,
          %get3A_659 = arith.index_cast %add3A_513 : i32 to index
          %get3A_660 = arith.constant 64 : index
          %get3A_661 = tpu.vector_load %arg28[%get3A_659, %get3A_660] {strides = array<i32>} : memref<32x128xf32, #tpu.memory_space<vmem>>, vector<16xf32>,
          %mul3A_662 = arith.mulf %get3A_646, %get3A_649 : vector<16xf32>
          %mul3A_663 = arith.mulf %get3A_652, %get3A_655 : vector<16xf32>
          %add3A_664 = arith.addf %mul3A_662, %mul3A_663 : vector<16xf32>
          %mul3A_665 = arith.mulf %get3A_658, %add3A_664 : vector<16xf32>
          %mul3A_666 = arith.mulf %get3A_646, %get3A_655 : vector<16xf32>
          %mul3A_667 = arith.mulf %get3A_652, %get3A_649 : vector<16xf32>
          %sub3A_668 = arith.subf %mul3A_666, %mul3A_667 : vector<16xf32>
          %mul3A_669 = arith.mulf %get3A_661, %sub3A_668 : vector<16xf32>
          %add3A_670 = arith.addf %mul3A_665, %mul3A_669 : vector<16xf32>
          %add3A_671 = arith.addf %add3A_643, %add3A_670 : vector<16xf32>
          %get3A_672 = arith.index_cast %add3A_513 : i32 to index
          %get3A_673 = arith.constant 80 : index
          %get3A_674 = tpu.vector_load %arg23[%get3A_672, %get3A_673] {strides = array<i32>} : memref<32x128xf32, #tpu.memory_space<vmem>>, vector<16xf32>,
          %get3A_675 = arith.index_cast %add3A_513 : i32 to index
          %get3A_676 = arith.constant 80 : index
          %get3A_677 = tpu.vector_load %arg24[%get3A_675, %get3A_676] {strides = array<i32>} : memref<32x128xf32, #tpu.memory_space<vmem>>, vector<16xf32>,
          %get3A_678 = arith.index_cast %add3A_513 : i32 to index
          %get3A_679 = arith.constant 80 : index
          %get3A_680 = tpu.vector_load %arg25[%get3A_678, %get3A_679] {strides = array<i32>} : memref<32x128xf32, #tpu.memory_space<vmem>>, vector<16xf32>,
          %get3A_681 = arith.index_cast %add3A_513 : i32 to index
          %get3A_682 = arith.constant 80 : index
          %get3A_683 = tpu.vector_load %arg26[%get3A_681, %get3A_682] {strides = array<i32>} : memref<32x128xf32, #tpu.memory_space<vmem>>, vector<16xf32>,
          %get3A_684 = arith.index_cast %add3A_513 : i32 to index
          %get3A_685 = arith.constant 80 : index
          %get3A_686 = tpu.vector_load %arg27[%get3A_684, %get3A_685] {strides = array<i32>} : memref<32x128xf32, #tpu.memory_space<vmem>>, vector<16xf32>,
          %get3A_687 = arith.index_cast %add3A_513 : i32 to index
          %get3A_688 = arith.constant 80 : index
          %get3A_689 = tpu.vector_load %arg28[%get3A_687, %get3A_688] {strides = array<i32>} : memref<32x128xf32, #tpu.memory_space<vmem>>, vector<16xf32>,
          %mul3A_690 = arith.mulf %get3A_674, %get3A_677 : vector<16xf32>
          %mul3A_691 = arith.mulf %get3A_680, %get3A_683 : vector<16xf32>
          %add3A_692 = arith.addf %mul3A_690, %mul3A_691 : vector<16xf32>
          %mul3A_693 = arith.mulf %get3A_686, %add3A_692 : vector<16xf32>
          %mul3A_694 = arith.mulf %get3A_674, %get3A_683 : vector<16xf32>
          %mul3A_695 = arith.mulf %get3A_680, %get3A_677 : vector<16xf32>
          %sub3A_696 = arith.subf %mul3A_694, %mul3A_695 : vector<16xf32>
          %mul3A_697 = arith.mulf %get3A_689, %sub3A_696 : vector<16xf32>
          %add3A_698 = arith.addf %mul3A_693, %mul3A_697 : vector<16xf32>
          %add3A_699 = arith.addf %add3A_671, %add3A_698 : vector<16xf32>
          %get3A_700 = arith.index_cast %add3A_513 : i32 to index
          %get3A_701 = arith.constant 96 : index
          %get3A_702 = tpu.vector_load %arg23[%get3A_700, %get3A_701] {strides = array<i32>} : memref<32x128xf32, #tpu.memory_space<vmem>>, vector<16xf32>,
          %get3A_703 = arith.index_cast %add3A_513 : i32 to index
          %get3A_704 = arith.constant 96 : index
          %get3A_705 = tpu.vector_load %arg24[%get3A_703, %get3A_704] {strides = array<i32>} : memref<32x128xf32, #tpu.memory_space<vmem>>, vector<16xf32>,
          %get3A_706 = arith.index_cast %add3A_513 : i32 to index
          %get3A_707 = arith.constant 96 : index
          %get3A_708 = tpu.vector_load %arg25[%get3A_706, %get3A_707] {strides = array<i32>} : memref<32x128xf32, #tpu.memory_space<vmem>>, vector<16xf32>,
          %get3A_709 = arith.index_cast %add3A_513 : i32 to index
          %get3A_710 = arith.constant 96 : index
          %get3A_711 = tpu.vector_load %arg26[%get3A_709, %get3A_710] {strides = array<i32>} : memref<32x128xf32, #tpu.memory_space<vmem>>, vector<16xf32>,
          %get3A_712 = arith.index_cast %add3A_513 : i32 to index
          %get3A_713 = arith.constant 96 : index
          %get3A_714 = tpu.vector_load %arg27[%get3A_712, %get3A_713] {strides = array<i32>} : memref<32x128xf32, #tpu.memory_space<vmem>>, vector<16xf32>,
          %get3A_715 = arith.index_cast %add3A_513 : i32 to index
          %get3A_716 = arith.constant 96 : index
          %get3A_717 = tpu.vector_load %arg28[%get3A_715, %get3A_716] {strides = array<i32>} : memref<32x128xf32, #tpu.memory_space<vmem>>, vector<16xf32>,
          %mul3A_718 = arith.mulf %get3A_702, %get3A_705 : vector<16xf32>
          %mul3A_719 = arith.mulf %get3A_708, %get3A_711 : vector<16xf32>
          %add3A_720 = arith.addf %mul3A_718, %mul3A_719 : vector<16xf32>
          %mul3A_721 = arith.mulf %get3A_714, %add3A_720 : vector<16xf32>
          %mul3A_722 = arith.mulf %get3A_702, %get3A_711 : vector<16xf32>
          %mul3A_723 = arith.mulf %get3A_708, %get3A_705 : vector<16xf32>
          %sub3A_724 = arith.subf %mul3A_722, %mul3A_723 : vector<16xf32>
          %mul3A_725 = arith.mulf %get3A_717, %sub3A_724 : vector<16xf32>
          %add3A_726 = arith.addf %mul3A_721, %mul3A_725 : vector<16xf32>
          %add3A_727 = arith.addf %add3A_699, %add3A_726 : vector<16xf32>
          %get3A_728 = arith.index_cast %add3A_513 : i32 to index
          %get3A_729 = arith.constant 112 : index
          %get3A_730 = tpu.vector_load %arg23[%get3A_728, %get3A_729] {strides = array<i32>} : memref<32x128xf32, #tpu.memory_space<vmem>>, vector<16xf32>,
          %get3A_731 = arith.index_cast %add3A_513 : i32 to index
          %get3A_732 = arith.constant 112 : index
          %get3A_733 = tpu.vector_load %arg24[%get3A_731, %get3A_732] {strides = array<i32>} : memref<32x128xf32, #tpu.memory_space<vmem>>, vector<16xf32>,
          %get3A_734 = arith.index_cast %add3A_513 : i32 to index
          %get3A_735 = arith.constant 112 : index
          %get3A_736 = tpu.vector_load %arg25[%get3A_734, %get3A_735] {strides = array<i32>} : memref<32x128xf32, #tpu.memory_space<vmem>>, vector<16xf32>,
          %get3A_737 = arith.index_cast %add3A_513 : i32 to index
          %get3A_738 = arith.constant 112 : index
          %get3A_739 = tpu.vector_load %arg26[%get3A_737, %get3A_738] {strides = array<i32>} : memref<32x128xf32, #tpu.memory_space<vmem>>, vector<16xf32>,
          %get3A_740 = arith.index_cast %add3A_513 : i32 to index
          %get3A_741 = arith.constant 112 : index
          %get3A_742 = tpu.vector_load %arg27[%get3A_740, %get3A_741] {strides = array<i32>} : memref<32x128xf32, #tpu.memory_space<vmem>>, vector<16xf32>,
          %get3A_743 = arith.index_cast %add3A_513 : i32 to index
          %get3A_744 = arith.constant 112 : index
          %get3A_745 = tpu.vector_load %arg28[%get3A_743, %get3A_744] {strides = array<i32>} : memref<32x128xf32, #tpu.memory_space<vmem>>, vector<16xf32>,
          %mul3A_746 = arith.mulf %get3A_730, %get3A_733 : vector<16xf32>
          %mul3A_747 = arith.mulf %get3A_736, %get3A_739 : vector<16xf32>
          %add3A_748 = arith.addf %mul3A_746, %mul3A_747 : vector<16xf32>
          %mul3A_749 = arith.mulf %get3A_742, %add3A_748 : vector<16xf32>
          %mul3A_750 = arith.mulf %get3A_730, %get3A_739 : vector<16xf32>
          %mul3A_751 = arith.mulf %get3A_736, %get3A_733 : vector<16xf32>
          %sub3A_752 = arith.subf %mul3A_750, %mul3A_751 : vector<16xf32>
          %mul3A_753 = arith.mulf %get3A_745, %sub3A_752 : vector<16xf32>
          %add3A_754 = arith.addf %mul3A_749, %mul3A_753 : vector<16xf32>
          %add3A_755 = arith.addf %add3A_727, %add3A_754 : vector<16xf32>
          %mul3A_756 = arith.constant 24 : i32
          %mul3A_757 = arith.muli %scan3A_510, %mul3A_756 : i32
          %swap3A_758 = arith.index_cast %mul3A_757 : i32 to index
          %swap3A_759 = tpu.vector_load %arg30[%swap3A_758] {strides = array<i32>} : memref<384xf32, #tpu.memory_space<vmem>>, vector<16xf32>,
          tpu.vector_store %arg30[%swap3A_758], %add3A_755 {strides = array<i32>} : memref<384xf32, #tpu.memory_space<vmem>>, vector<16xf32>,
          %scan3A_760 = arith.constant 0 : i32
          scf.yield %scan3A_760 : i32
        }
        %scan3A_171 = arith.constant 16 : i32
        %broadcast_in_dim3A = arith.constant 0.000000e+00 : f32
        %broadcast_in_dim3A_172 = vector.broadcast %broadcast_in_dim3A : f32 to vector<16xf32>
        %mul3A_173 = arith.constant 24 : i32
        %mul3A_174 = vector.broadcast %mul3A_173 : i32 to vector<16xi32>
        %mul3A_175 = arith.muli %iota3A, %mul3A_174 : vector<16xi32>
        %add3A_176 = arith.constant 0 : i32
        %add3A_177 = vector.broadcast %add3A_176 : i32 to vector<16xi32>
        %add3A_178 = arith.addi %mul3A_175, %add3A_177 : vector<16xi32>
        %gather3A = tpu.vector_load_idx %arg30[%add3A_178] : memref<384xf32, #tpu.memory_space<vmem>>[vector<16xi32>], vector<16xf32>,
        %add3A_179 = arith.addf %broadcast_in_dim3A_172, %gather3A : vector<16xf32>
        %add3A_180 = arith.constant 1 : i32
        %add3A_181 = vector.broadcast %add3A_180 : i32 to vector<16xi32>
        %add3A_182 = arith.addi %mul3A_175, %add3A_181 : vector<16xi32>
        %gather3A_183 = tpu.vector_load_idx %arg30[%add3A_182] : memref<384xf32, #tpu.memory_space<vmem>>[vector<16xi32>], vector<16xf32>,
        %add3A_184 = arith.addf %add3A_179, %gather3A_183 : vector<16xf32>
        %add3A_185 = arith.constant 2 : i32
        %add3A_186 = vector.broadcast %add3A_185 : i32 to vector<16xi32>
        %add3A_187 = arith.addi %mul3A_175, %add3A_186 : vector<16xi32>
        %gather3A_188 = tpu.vector_load_idx %arg30[%add3A_187] : memref<384xf32, #tpu.memory_space<vmem>>[vector<16xi32>], vector<16xf32>,
        %add3A_189 = arith.addf %add3A_184, %gather3A_188 : vector<16xf32>
        %add3A_190 = arith.constant 3 : i32
        %add3A_191 = vector.broadcast %add3A_190 : i32 to vector<16xi32>
        %add3A_192 = arith.addi %mul3A_175, %add3A_191 : vector<16xi32>
        %gather3A_193 = tpu.vector_load_idx %arg30[%add3A_192] : memref<384xf32, #tpu.memory_space<vmem>>[vector<16xi32>], vector<16xf32>,
        %add3A_194 = arith.addf %add3A_189, %gather3A_193 : vector<16xf32>
        %add3A_195 = arith.constant 4 : i32
        %add3A_196 = vector.broadcast %add3A_195 : i32 to vector<16xi32>
        %add3A_197 = arith.addi %mul3A_175, %add3A_196 : vector<16xi32>
        %gather3A_198 = tpu.vector_load_idx %arg30[%add3A_197] : memref<384xf32, #tpu.memory_space<vmem>>[vector<16xi32>], vector<16xf32>,
        %add3A_199 = arith.addf %add3A_194, %gather3A_198 : vector<16xf32>
        %add3A_200 = arith.constant 5 : i32
        %add3A_201 = vector.broadcast %add3A_200 : i32 to vector<16xi32>
        %add3A_202 = arith.addi %mul3A_175, %add3A_201 : vector<16xi32>
        %gather3A_203 = tpu.vector_load_idx %arg30[%add3A_202] : memref<384xf32, #tpu.memory_space<vmem>>[vector<16xi32>], vector<16xf32>,
        %add3A_204 = arith.addf %add3A_199, %gather3A_203 : vector<16xf32>
        %add3A_205 = arith.constant 6 : i32
        %add3A_206 = vector.broadcast %add3A_205 : i32 to vector<16xi32>
        %add3A_207 = arith.addi %mul3A_175, %add3A_206 : vector<16xi32>
        %gather3A_208 = tpu.vector_load_idx %arg30[%add3A_207] : memref<384xf32, #tpu.memory_space<vmem>>[vector<16xi32>], vector<16xf32>,
        %add3A_209 = arith.addf %add3A_204, %gather3A_208 : vector<16xf32>
        %add3A_210 = arith.constant 7 : i32
        %add3A_211 = vector.broadcast %add3A_210 : i32 to vector<16xi32>
        %add3A_212 = arith.addi %mul3A_175, %add3A_211 : vector<16xi32>
        %gather3A_213 = tpu.vector_load_idx %arg30[%add3A_212] : memref<384xf32, #tpu.memory_space<vmem>>[vector<16xi32>], vector<16xf32>,
        %add3A_214 = arith.addf %add3A_209, %gather3A_213 : vector<16xf32>
        %add3A_215 = arith.constant 8 : i32
        %add3A_216 = vector.broadcast %add3A_215 : i32 to vector<16xi32>
        %add3A_217 = arith.addi %mul3A_175, %add3A_216 : vector<16xi32>
        %gather3A_218 = tpu.vector_load_idx %arg30[%add3A_217] : memref<384xf32, #tpu.memory_space<vmem>>[vector<16xi32>], vector<16xf32>,
        %add3A_219 = arith.addf %add3A_214, %gather3A_218 : vector<16xf32>
        %add3A_220 = arith.constant 9 : i32
        %add3A_221 = vector.broadcast %add3A_220 : i32 to vector<16xi32>
        %add3A_222 = arith.addi %mul3A_175, %add3A_221 : vector<16xi32>
        %gather3A_223 = tpu.vector_load_idx %arg30[%add3A_222] : memref<384xf32, #tpu.memory_space<vmem>>[vector<16xi32>], vector<16xf32>,
        %add3A_224 = arith.addf %add3A_219, %gather3A_223 : vector<16xf32>
        %add3A_225 = arith.constant 10 : i32
        %add3A_226 = vector.broadcast %add3A_225 : i32 to vector<16xi32>
        %add3A_227 = arith.addi %mul3A_175, %add3A_226 : vector<16xi32>
        %gather3A_228 = tpu.vector_load_idx %arg30[%add3A_227] : memref<384xf32, #tpu.memory_space<vmem>>[vector<16xi32>], vector<16xf32>,
        %add3A_229 = arith.addf %add3A_224, %gather3A_228 : vector<16xf32>
        %add3A_230 = arith.constant 11 : i32
        %add3A_231 = vector.broadcast %add3A_230 : i32 to vector<16xi32>
        %add3A_232 = arith.addi %mul3A_175, %add3A_231 : vector<16xi32>
        %gather3A_233 = tpu.vector_load_idx %arg30[%add3A_232] : memref<384xf32, #tpu.memory_space<vmem>>[vector<16xi32>], vector<16xf32>,
        %add3A_234 = arith.addf %add3A_229, %gather3A_233 : vector<16xf32>
        %add3A_235 = arith.constant 12 : i32
        %add3A_236 = vector.broadcast %add3A_235 : i32 to vector<16xi32>
        %add3A_237 = arith.addi %mul3A_175, %add3A_236 : vector<16xi32>
        %gather3A_238 = tpu.vector_load_idx %arg30[%add3A_237] : memref<384xf32, #tpu.memory_space<vmem>>[vector<16xi32>], vector<16xf32>,
        %add3A_239 = arith.addf %add3A_234, %gather3A_238 : vector<16xf32>
        %add3A_240 = arith.constant 13 : i32
        %add3A_241 = vector.broadcast %add3A_240 : i32 to vector<16xi32>
        %add3A_242 = arith.addi %mul3A_175, %add3A_241 : vector<16xi32>
        %gather3A_243 = tpu.vector_load_idx %arg30[%add3A_242] : memref<384xf32, #tpu.memory_space<vmem>>[vector<16xi32>], vector<16xf32>,
        %add3A_244 = arith.addf %add3A_239, %gather3A_243 : vector<16xf32>
        %add3A_245 = arith.constant 14 : i32
        %add3A_246 = vector.broadcast %add3A_245 : i32 to vector<16xi32>
        %add3A_247 = arith.addi %mul3A_175, %add3A_246 : vector<16xi32>
        %gather3A_248 = tpu.vector_load_idx %arg30[%add3A_247] : memref<384xf32, #tpu.memory_space<vmem>>[vector<16xi32>], vector<16xf32>,
        %add3A_249 = arith.addf %add3A_244, %gather3A_248 : vector<16xf32>
        %add3A_250 = arith.constant 15 : i32
        %add3A_251 = vector.broadcast %add3A_250 : i32 to vector<16xi32>
        %add3A_252 = arith.addi %mul3A_175, %add3A_251 : vector<16xi32>
        %gather3A_253 = tpu.vector_load_idx %arg30[%add3A_252] : memref<384xf32, #tpu.memory_space<vmem>>[vector<16xi32>], vector<16xf32>,
        %add3A_254 = arith.addf %add3A_249, %gather3A_253 : vector<16xf32>
        %mul3A_255 = arith.constant 16 : i32
        %mul3A_256 = arith.muli %scan3A_164, %mul3A_255 : i32
        %add3A_257 = arith.addi %mul3A_157, %mul3A_256 : i32
        %swap3A = arith.index_cast %add3A_257 : i32 to index
        %swap3A_258 = tpu.vector_load %arg31[%swap3A] {strides = array<i32>} : memref<512xf32, #tpu.memory_space<vmem>>, vector<16xf32>,
        tpu.vector_store %arg31[%swap3A], %add3A_254 {strides = array<i32>} : memref<512xf32, #tpu.memory_space<vmem>>, vector<16xf32>,
      }
      %scan3A_162 = arith.constant 2 : i32
      %scan3A_163 = arith.constant 0 : i32
      scf.yield %scan3A_163 : i32
    }
    %scan3A_57 = arith.constant 8 : i32
    "tpu.region"() ({
      %run_scoped3A = tpu.sem_alloc : memref<!tpu.dma_semaphore, #tpu.memory_space<semaphore_mem>>
      %dma_start3A_58 = tpu.memref_slice %arg11[%mul3A_2] : memref<16384xf32, #tpu.memory_space<hbm>> -> memref<512xf32, #tpu.memory_space<hbm>>
      %dma_start3A_59 = tpu.memref_slice %arg11[%mul3A_2] : memref<16384xf32, #tpu.memory_space<hbm>> -> memref<512xf32, #tpu.memory_space<hbm>>
      tpu.enqueue_dma source(%arg31 : memref<512xf32, #tpu.memory_space<vmem>>) target(%dma_start3A_59 : memref<512xf32, #tpu.memory_space<hbm>>) target_semaphore(%run_scoped3A : memref<!tpu.dma_semaphore, #tpu.memory_space<semaphore_mem>>)
      %dma_wait3A_60 = tpu.memref_slice %arg11[%mul3A_2] : memref<16384xf32, #tpu.memory_space<hbm>> -> memref<512xf32, #tpu.memory_space<hbm>>
      %dma_wait3A_61 = tpu.memref_slice %arg11[%mul3A_2] : memref<16384xf32, #tpu.memory_space<hbm>> -> memref<512xf32, #tpu.memory_space<hbm>>
      tpu.wait_dma2 semaphore(%run_scoped3A : memref<!tpu.dma_semaphore, #tpu.memory_space<semaphore_mem>>) src(%arg31 : memref<512xf32, #tpu.memory_space<vmem>>) dst(%dma_wait3A_61 : memref<512xf32, #tpu.memory_space<hbm>>)
      tpu.yield
    }) : () -> ()
    return
  }
}

</mosaic_0001>

<sc_bundles>
// kernel: kernel.3.cloned.1.call-start
scs
__scs_entry_jumppad:
0x0: {  	(pc) =	sbr.rel $0x88, $3  }
0x1: {  	(tag) =	ssettag $0x0;
	lr =	simm.s32 $0x1  }
0x2: {  	[smem:$0x3F98] =	sst lr;
	_ =	strace $0xD0000000  }
0x3: {  	_ = 	snop  }
0x4: {  	_ = 	snop  }
0x5: {  	_ = 	snop  }
0x6: {  	_ = 	snop  }
0x7: {  	_ = 	snop  }
__scs_overlays_trampoline_lowered:
0x8: {  	[smem:$0x3FA7] =	sst s0  }
0x9: {  	[smem:$0x3FA8] =	sst s1  }
0xa: {  	[smem:$0x3FA9] =	sst s2  }
0xb: {  	[smem:$0x3FAA] =	sst s3  }
0xc: {  	[smem:$0x3FAB] =	sst s4  }
0xd: {  	[smem:$0x3FAC] =	sst s5  }
0xe: {  	[smem:$0x3FAD] =	sst s6  }
0xf: {  	[smem:$0x3FAE] =	sst s7  }
0x10: {  	[smem:$0x3FAF] =	sst s8  }
0x11: {  	[smem:$0x3FB0] =	sst s9;
	s0 =	simm.s32 @!p0 $0x0  }
0x12: {  	s1 =	sld [smem:$0x3F96];
	s0 =	simm.s32 @p0 $0x1  }
0x13: {  	[smem:$0x3FB1] =	sst s0;
	s0 =	simm.s32 @!p1 $0x0  }
0x14: {  	s2 =	sld [smem:$0x3F95];
	s0 =	simm.s32 @p1 $0x1  }
0x15: {  	[smem:$0x3FB2] =	sst s0;
	s0 =	simm.s32 @!p2 $0x0  }
0x16: {  	s3 =	sld [smem:$0x3FDB];
	s0 =	simm.s32 @p2 $0x1  }
0x17: {  	s4 =	simm.s32 $0x1BF5;
	[smem:$0x3FB4] =	sst s0  }
0x18: {  	s0 =	sld [smem:$0x3F97];
	_ =	swait.ge [sflag:s4], $0x0  }
0x19: {  	s7 =	sld [smem:$0x3F98]  }
0x1a: {  	s8 =	sadd.s32 $0xFFFFE003, lr  }
0x1b: {  	s9 =	sadd.s32 $0xFFFFFEF7, lr;
	s5 =	simm.s32 $0xFFFFFFFF;
	p2 =	slt.u32 s8, $0xFFFFF086  }
0x1c: {  	p1 =	slt.u32 s9, $0xF7A;
	s5 =	simm.s32 @!p2 $0x0  }
0x1d: {  	s5 =	simm.s32 @p1 $0x1;
	p0 =	seq.s32 s7, s2  }
0x1e: {  	s7 =	smul.u32 @!p0 $0xF7A, s2;
	p2 =	seq.s32 @!p0 s5, $0x0  }
0x1f: {  	s9 =	smul.u32 $0xF7A, s1;
	s8 =	simm.s32 @!p0 $0x1BF5;
	p2 =	por !p2, p0  }
0x20: {  	[sflag:s8] =	ssyncset.s32 @!p0 $0xFFFFF086;
	s6 =	sadd.s32 @!p0 s3, s7;
	s7 =	simm.s32 @!p0 $0x108  }
0x21: {  	s3 =	sadd.s32 s3, s9;
	s6 =	sadd.s32 @!p0 $0x88, s6;
	s7 =	simm.s32 @p2 $0x1082  }
0x22: {  	[simem:s7], [sflag:s8] =	dma.local @!p0 [hbm:s6], $0xF7A  }
0x23: {  	s9 =	sor.u32 $0xD0000000, s2;
	s6 =	simm.s32 $0x108;
	_ =	swait.ge @!p0 [sflag:s8], $0x0  }
0x24: {  	s3 =	sadd.s32 $0x88, s3;
	s6 =	simm.s32 @!p1 $0x1082;
	[sflag:s4] =	ssyncset.s32 $0xFFFFF086  }
0x25: {  	[simem:s6], [sflag:s4] =	dma.local [hbm:s3], $0xF7A  }
0x26: {  	[smem:$0x3F98] =	sst s1;
	(tag) =	ssettag s2;
	_ =	strace s9  }
0x27: {  	s1 =	sld [smem:$0x3FA8]  }
0x28: {  	s2 =	sld [smem:$0x3FA9]  }
0x29: {  	s4 =	sld [smem:$0x3FAB]  }
0x2a: {  	p0 =	seq.s32 s5, $0x0;
	s5 =	sld [smem:$0x3FAC]  }
0x2b: {  	s6 =	sld [smem:$0x3FAD]  }
0x2c: {  	s7 =	sld [smem:$0x3FAE]  }
0x2d: {  	s3 =	simm.s32 $0x108;
	s8 =	sld [smem:$0x3FAF]  }
0x2e: {  	s3 =	simm.s32 @!p0 $0x1082;
	s9 =	sld [smem:$0x3FB0]  }
0x2f: {  	lr =	sadd.s32 s0, s3;
	s0 =	sld [smem:$0x3FA7]  }
0x30: {  	s3 =	sld [smem:$0x3FAA]  }
0x31: {  	[smem:$0x3FB3] =	sst s10  }
0x32: {  	s10 =	sld [smem:$0x3FB1];
	_ =	sdelay $0x3  }
0x33: {  	p0 =	seq.s32 s10, $0x1;
	s10 =	sld [smem:$0x3FB3];
	_ =	sdelay $0x3  }
0x34: {  	[smem:$0x3FB3] =	sst s10  }
0x35: {  	s10 =	sld [smem:$0x3FB2];
	_ =	sdelay $0x3  }
0x36: {  	p1 =	seq.s32 s10, $0x1;
	s10 =	sld [smem:$0x3FB3];
	_ =	sdelay $0x3  }
0x37: {  	[smem:$0x3FB3] =	sst s10  }
0x38: {  	s10 =	sld [smem:$0x3FB4]  }
0x39: {  	_ = 	snop;
	(pc) =	sbr.ind lr, $3  }
0x3a: {  	_ = 	snop  }
0x3b: {  	_ = 	snop  }
0x3c: {  	p2 =	seq.s32 s10, $0x1;
	s10 =	sld [smem:$0x3FB3]  }
0x3d: {  	_ =	shalt  }
0x3e: {  	_ =	shalt  }
0x3f: {  	_ =	shalt  }
0x40: {  	_ =	shalt  }
0x41: {  	_ =	shalt  }
0x42: {  	_ =	shalt  }
0x43: {  	_ =	shalt  }
0x44: {  	_ =	shalt  }
0x45: {  	_ =	shalt  }
0x46: {  	_ =	shalt  }
0x47: {  	_ =	shalt  }
0x48: {  	_ =	shalt  }
0x49: {  	_ =	shalt  }
0x4a: {  	_ =	shalt  }
0x4b: {  	_ =	shalt  }
0x4c: {  	_ =	shalt  }
0x4d: {  	_ =	shalt  }
0x4e: {  	_ =	shalt  }
0x4f: {  	_ =	shalt  }
0x50: {  	_ =	shalt  }
0x51: {  	_ =	shalt  }
0x52: {  	_ =	shalt  }
0x53: {  	_ =	shalt  }
0x54: {  	_ =	shalt  }
0x55: {  	_ =	shalt  }
0x56: {  	_ =	shalt  }
0x57: {  	_ =	shalt  }
0x58: {  	_ =	shalt  }
0x59: {  	_ =	shalt  }
0x5a: {  	_ =	shalt  }
0x5b: {  	_ =	shalt  }
0x5c: {  	_ =	shalt  }
0x5d: {  	_ =	shalt  }
0x5e: {  	_ =	shalt  }
0x5f: {  	_ =	shalt  }
0x60: {  	_ =	shalt  }
0x61: {  	_ =	shalt  }
0x62: {  	_ =	shalt  }
0x63: {  	_ =	shalt  }
0x64: {  	_ =	shalt  }
0x65: {  	_ =	shalt  }
0x66: {  	_ =	shalt  }
0x67: {  	_ =	shalt  }
0x68: {  	_ =	shalt  }
0x69: {  	_ =	shalt  }
0x6a: {  	_ =	shalt  }
0x6b: {  	_ =	shalt  }
0x6c: {  	_ =	shalt  }
0x6d: {  	_ =	shalt  }
0x6e: {  	_ =	shalt  }
0x6f: {  	_ =	shalt  }
0x70: {  	_ =	shalt  }
0x71: {  	_ =	shalt  }
0x72: {  	_ =	shalt  }
0x73: {  	_ =	shalt  }
0x74: {  	_ =	shalt  }
0x75: {  	_ =	shalt  }
0x76: {  	_ =	shalt  }
0x77: {  	_ =	shalt  }
0x78: {  	_ =	shalt  }
0x79: {  	_ =	shalt  }
0x7a: {  	_ =	shalt  }
0x7b: {  	_ =	shalt  }
0x7c: {  	_ =	shalt  }
0x7d: {  	_ =	shalt  }
0x7e: {  	_ =	shalt  }
0x7f: {  	_ =	shalt  }
0x80: {  	_ =	shalt  }
0x81: {  	_ =	shalt  }
0x82: {  	_ =	shalt  }
0x83: {  	_ =	shalt  }
0x84: {  	_ =	shalt  }
0x85: {  	_ =	shalt  }
0x86: {  	_ =	shalt  }
0x87: {  	_ =	shalt  }
.Lfunc_end0:
.L_simem_size_0:
called_computation_lowered:
.L_overlay_start_0:
0x88: {  	s2 =	sld [smem:$0x3FD9]  }
0x89: {  	s3 =	sld [smem:$0x3FFE];
	_ =	sdelay $0x1  }
0x8a: {  	s1 =	srdreg.scid  }
0x8b: {  	s0 =	sand.u32 $0x1, s1  }
0x8c: {  	s17 =	sshll.u32 s0, $0xA;
	s2 =	sadd.s32 s3, s2  }
0x8d: {  	s2 =	sadd.s32 s2, s17  }
0x8e: {  	[smem:$0x3FBF] =	sst s2  }
0x8f: {  	_ = 	snop  }
0x90: {  	s2 =	sld [smem:$0x3FC9]  }
0x91: {  	s18 =	sld [smem:$0x3FC8]  }
0x92: {  	s4 =	sld [smem:$0x3FC7]  }
0x93: {  	s5 =	sld [smem:$0x3FC6]  }
0x94: {  	s6 =	sld [smem:$0x3FC5]  }
0x95: {  	s7 =	sld [smem:$0x3FC4]  }
0x96: {  	s8 =	sld [smem:$0x3FC3]  }
0x97: {  	s9 =	sld [smem:$0x3FC2]  }
0x98: {  	s10 =	sld [smem:$0x3FD0];
	(tm) =	ssettm $0x1  }
0x99: {  	s11 =	sld [smem:$0x3FFB];
	_ =	sdelay $0x3  }
0x9a: {  	_ =	strace s11  }
0x9b: {  	s11 =	sld [smem:$0x3FFC];
	_ =	sdelay $0x3  }
0x9c: {  	_ =	strace s11  }
0x9d: {  	s11 =	sld [smem:$0x3FFD];
	_ =	sdelay $0x3  }
0x9e: {  	_ =	strace s11  }
0x9f: {  	_ =	strace $0x8FFFFFFF  }
0xa0: {  	s19 =	sld [smem:$0x3FDB];
	_ =	sdelay $0x1  }
0xa1: {  	s12 =	simm.s32 $_scs_section_size  }
0xa2: {  	s13 =	simm.s32 $_size__tile_overlayer_lowered;
	s14 =	simm.s32 $_tile_overlayer_lowered  }
0xa3: {  	s22 =	simm.s32 $0x1BFF;
	s21 =	sshll.u32 s14, $0x1;
	s11 =	sadd.s32 s12, s19  }
0xa4: {  	s15 =	simm.s32 $0x0;
	s20 =	sshll.u32 s13, $0x1;
	s13 =	sadd.s32 s21, s11  }
0xa5: {  	[timem:s15], [sflag:s22] =	dma.local [hbm:s13], s20  }
0xa6: {  	_ =	swait.ge [sflag:s22], s20  }
0xa7: {  	s12 =	ssub.s32 $0x0, s20;
	[sflag:s22] =	ssyncset.done $0x0  }
0xa8: {  	[sflag:s22] =	ssyncadd.s32 s12;
	_ =	sdelay $0x1  }
0xa9: {  	s23 =	simm.s32 $0x1B8B  }
0xaa: {  	_ =	swait.ge [sflag:s23], $0x1  }
0xab: {  	[sflag:s23] =	ssyncset.done $0x0  }
0xac: {  	s25 =	simm.s32 $0x1B8E;
	s24 =	sld [smem:$0x3FFE];
	[sflag:s23] =	ssyncadd.s32 $0xFFFFFFFF  }
0xad: {  	s26 =	simm.s32 $execute0_lowered;
	[smem:$0x3FD2] =	sst s25  }
0xae: {  	s13 =	sshll.u32 s26, $0x1;
	_ =	strace $0x80000046;
	[dreg:$0x1] =	wrdreg $0xFFFFFFFF  }
0xaf: {  	s28 =	simm.s32 $_size_execute0_lowered;
	s11 =	sadd.s32 s11, s13;
	[dreg:$0x0] =	wrdreg $0x0  }
0xb0: {  	s13 =	sshll.u32 s28, $0x1;
	[dreg:$0x2] =	wrdreg s11  }
0xb1: {  	[dreg:$0x3] =	wrdreg s13  }
0xb2: {  	[dreg:$0x4] =	wrdreg $0xC0  }
0xb3: {  	_ =	task [dreg:s15], $0x5FFFF  }
0xb4: {  	[dreg:$0x1] =	wrdreg $0xFFFFFFFF  }
0xb5: {  	[dreg:$0x0] =	wrdreg $0x60  }
0xb6: {  	[dreg:$0x2] =	wrdreg s2  }
0xb7: {  	[dreg:$0x3] =	wrdreg s18  }
0xb8: {  	[dreg:$0x4] =	wrdreg s4  }
0xb9: {  	[dreg:$0x5] =	wrdreg s5  }
0xba: {  	[dreg:$0x6] =	wrdreg s6  }
0xbb: {  	[dreg:$0x7] =	wrdreg s7  }
0xbc: {  	[dreg:$0x8] =	wrdreg s8  }
0xbd: {  	[dreg:$0x9] =	wrdreg s9  }
0xbe: {  	[dreg:$0xa] =	wrdreg s24  }
0xbf: {  	[dreg:$0xb] =	wrdreg s10  }
0xc0: {  	[dreg:$0xc] =	wrdreg $0x9  }
0xc1: {  	_ =	task.clear_ibuf [dreg:s15], $0xDFFFF;
	_ =	strace $0x90000046  }
0xc2: {  	s29 =	simm.s32 $0x9;
	_ =	strace $0x80000048  }
0xc3: {  	_ =	swait.ge [sflag:s29], $0x1  }
0xc4: {  	[sflag:s29] =	ssyncadd.s32 $0xFFFFFFFF  }
0xc5: {  	_ =	strace $0x90000048  }
0xc6: {  	_ =	sfence  }
0xc7: {  	s30 =	sld [smem:$0x0];
	_ =	sdelay $0x2  }
0xc8: {  	s31 =	sshll.u32 s1, $0xD;
	s1 =	sshrl.u32 s1, $0x2  }
0xc9: {  	s3 =	sand.u32 $0x4000, s31;
	s1 =	sadd.s32 s1, s30  }
0xca: {  	s0 =	sor.u32 s3, s0;
	s1 =	sshll.u32 s1, $0x11  }
0xcb: {  	s0 =	sor.u32 s1, s0  }
0xcc: {  	s0 =	sadd.s32 $0x8F2B, s0  }
0xcd: {  	[sflag:s0] =	ssyncadd.remote.s32 $0x1  }
0xce: {  	_ =	sfence.sel $0xFFFF  }
0xcf: {  	[dreg:$0x0] =	wrdreg $0xFFFFFFFF;
	(pc) =	sbr.abs _section_cstart, $3  }
0xd0: {  	[dreg:$0x1] =	wrdreg $0xFFFFFFFF  }
0xd1: {  	_ =	task.clear_ibuf [dreg:s15], $0x2FFFF;
	_ =	strace $0x9FFFFFFF  }
0xd2: {  	(tm) =	ssettm $0x7FFFFFFF  }
0xd3: {  	_ =	shalt  }
tec
execute0_lowered:
.L_overlay_start_1:
0x0: {  	(tag) =	ssettag $0x1  }
0x1: {  	s0 =	rddreg [dreg:$0x0]  }
0x2: {  	s6 =	rddreg [dreg:$0x1]  }
0x3: {  	s8 =	rddreg [dreg:$0x2]  }
0x4: {  	s9 =	rddreg [dreg:$0x3]  }
0x5: {  	s1 =	rddreg [dreg:$0x4]  }
0x6: {  	s2 =	rddreg [dreg:$0x5]  }
0x7: {  	s3 =	rddreg [dreg:$0x6]  }
0x8: {  	s4 =	rddreg [dreg:$0x7]  }
0x9: {  	s7 =	rddreg [dreg:$0x8]  }
0xa: {  	s10 =	rddreg [dreg:$0x9];
	s5 =	simm.s32 $0x0  }
0xb: {  	s11 =	srdreg.scid;
	s14 =	stileid.u32;
	s17 =	simm.s32 $0x1  }
0xc: {  	s18 =	simm.s32 $0x20;
	s28 =	simm.s32 $0x8800;
	s29 =	simm.s32 $0x9800  }
0xd: {  	s30 =	simm.s32 $0xA800;
	s31 =	simm.s32 $0xB800;
	s11 =	sand.u32 $0x1, s11  }
0xe: {  	s14 =	sshll.u32 s14, $0x7;
	s12 =	ssub.s32 $0x2, s11;
	s11 =	sshll.u32 s11, $0x6  }
0xf: {  	s19 =	simm.s32 $0xE800;
	s20 =	simm.s32 $0x2;
	s11 =	sor.u32 s11, s14  }
0x10: {  	[smem:$0x7FF] =	sst s5;
	s7 =	sadd.s32 $0x400, s7;
	s0 =	sadd.s32 s0, s11  }
0x11: {  	_ =	strace $0x80000047;
	s22 =	sadd.s32 s6, s11;
	[dreg:$0xb] =	wrdreg s0  }
0x12: {  	s13 =	sshrl.u32 s12, $0x1;
	s23 =	sadd.s32 s8, s11;
	[dreg:$0xc] =	wrdreg s22  }
0x13: {  	s12 =	ssub.s32 s12, s13;
	s24 =	sadd.s32 s9, s11;
	[dreg:$0xd] =	wrdreg s23  }
0x14: {  	s25 =	sadd.s32 s10, s11;
	s6 =	simm.s32 $0xD800;
	[dreg:$0xe] =	wrdreg s24  }
0x15: {  	v0 =	vlaneseq.u32;
	[dreg:$0xf] =	wrdreg s25;
	s26 =	smax.u32 s12, $0x1;
	s0 =	simm.s32 $0xC800  }
0x16: {  	v0 =	vmul.u32 $0x18, v0;
	s23 =	simm.s32 $0x0;
	[dreg:$0x10] =	wrdreg s26;
	s26 =	simm.s32 $0x7800  }
.LBB2_1:
0x17: {  	s8 =	rddreg [dreg:$0xb]  }
0x18: {  	[tilespmem:s5], [sflag:$0x1] =	stream.linear.gather [hbm4b:s8+s5], $0x200, $0x38;
	[tilespmem:$0xEB80] =	vst v63  }
0x19: {  	s11 =	rddreg [dreg:$0xc];
	s9 =	simm.s32 $0x200  }
0x1a: {  	[tilespmem:s9], [sflag:$0x1] =	stream.linear.gather [hbm4b:s11+s5], $0x200, $0x38;
	[tilespmem:$0xEB80] =	vst v63  }
0x1b: {  	s12 =	rddreg [dreg:$0xd];
	s10 =	simm.s32 $0x400  }
0x1c: {  	[tilespmem:s10], [sflag:$0x1] =	stream.linear.gather [hbm4b:s12+s5], $0x200, $0x38;
	[tilespmem:$0xEB80] =	vst v63  }
0x1d: {  	s13 =	rddreg [dreg:$0xe];
	s11 =	simm.s32 $0x600  }
0x1e: {  	[tilespmem:s11], [sflag:$0x1] =	stream.linear.gather [hbm4b:s13+s5], $0x200, $0x38;
	[tilespmem:$0xEB80] =	vst v63  }
0x1f: {  	_ =	swait.ge [sflag:s17], $0x200  }
0x20: {  	[sflag:s17] =	ssyncset.done $0x0  }
0x21: {  	[sflag:s17] =	ssyncadd.s32 $0xFFFFFE00  }
0x22: {  	_ =	swait.ge [sflag:s17], $0x200  }
0x23: {  	[sflag:s17] =	ssyncset.done $0x0  }
0x24: {  	[sflag:s17] =	ssyncadd.s32 $0xFFFFFE00  }
0x25: {  	_ =	swait.ge [sflag:s17], $0x200  }
0x26: {  	[sflag:s17] =	ssyncset.done $0x0  }
0x27: {  	[sflag:s17] =	ssyncadd.s32 $0xFFFFFE00  }
0x28: {  	_ =	swait.ge [sflag:s17], $0x200  }
0x29: {  	[sflag:s17] =	ssyncset.done $0x0  }
0x2a: {  	s14 =	simm.s32 $0x800;
	[sflag:s17] =	ssyncadd.s32 $0xFFFFFE00  }
0x2b: {  	[tilespmem:s14], [sflag:$0x1] =	stream.indirect.gather [hbm4b:s1+s18], $0x80, s5, s18, $0xb8;
	[tilespmem:$0xEB80] =	vst v63  }
0x2c: {  	s15 =	simm.s32 $0x1800  }
0x2d: {  	[tilespmem:s15], [sflag:$0x1] =	stream.indirect.gather [hbm4b:s2+s18], $0x80, s10, s18, $0xb8;
	[tilespmem:$0xEB80] =	vst v63  }
0x2e: {  	s16 =	simm.s32 $0x2800  }
0x2f: {  	[tilespmem:s16], [sflag:$0x1] =	stream.indirect.gather [hbm4b:s1+s18], $0x80, s10, s18, $0xb8;
	[tilespmem:$0xEB80] =	vst v63  }
0x30: {  	s21 =	simm.s32 $0x3800  }
0x31: {  	[tilespmem:s21], [sflag:$0x1] =	stream.indirect.gather [hbm4b:s2+s18], $0x80, s5, s18, $0xb8;
	[tilespmem:$0xEB80] =	vst v63  }
0x32: {  	s22 =	simm.s32 $0x4800  }
0x33: {  	[tilespmem:s22], [sflag:$0x1] =	stream.indirect.gather [hbm4b:s3+s18], $0x80, s9, s18, $0xb8;
	[tilespmem:$0xEB80] =	vst v63  }
0x34: {  	s24 =	simm.s32 $0x5800  }
0x35: {  	[tilespmem:s24], [sflag:$0x1] =	stream.indirect.gather [hbm4b:s4+s18], $0x80, s9, s18, $0xb8;
	[tilespmem:$0xEB80] =	vst v63  }
0x36: {  	s25 =	simm.s32 $0x6800;
	s24 =	simm.s32 $0x0  }
0x37: {  	[tilespmem:s25], [sflag:$0x1] =	stream.indirect.gather [hbm4b:s7+s18], $0x80, s11, s18, $0xb8;
	[tilespmem:$0xEB80] =	vst v63  }
.LBB2_2:
0x38: {  	_ =	swait.ge [sflag:s17], $0x1000  }
0x39: {  	[sflag:s17] =	ssyncset.done $0x0  }
0x3a: {  	[sflag:s17] =	ssyncadd.s32 $0xFFFFF000  }
0x3b: {  	_ =	swait.ge [sflag:s17], $0x1000  }
0x3c: {  	[sflag:s17] =	ssyncset.done $0x0  }
0x3d: {  	[sflag:s17] =	ssyncadd.s32 $0xFFFFF000  }
0x3e: {  	_ =	swait.ge [sflag:s17], $0x1000  }
0x3f: {  	[sflag:s17] =	ssyncset.done $0x0  }
0x40: {  	[sflag:s17] =	ssyncadd.s32 $0xFFFFF000  }
0x41: {  	_ =	swait.ge [sflag:s17], $0x1000  }
0x42: {  	[sflag:s17] =	ssyncset.done $0x0  }
0x43: {  	[sflag:s17] =	ssyncadd.s32 $0xFFFFF000  }
0x44: {  	_ =	swait.ge [sflag:s17], $0x1000  }
0x45: {  	[sflag:s17] =	ssyncset.done $0x0  }
0x46: {  	[sflag:s17] =	ssyncadd.s32 $0xFFFFF000  }
0x47: {  	_ =	swait.ge [sflag:s17], $0x1000  }
0x48: {  	[sflag:s17] =	ssyncset.done $0x0  }
0x49: {  	[sflag:s17] =	ssyncadd.s32 $0xFFFFF000  }
0x4a: {  	_ =	swait.ge [sflag:s17], $0x1000  }
0x4b: {  	s8 =	sshllo.u32 s24, $0x1;
	[sflag:s17] =	ssyncset.done $0x0  }
0x4c: {  	s25 =	sshll.u32 s8, $0x5;
	[sflag:s17] =	ssyncadd.s32 $0xFFFFF000  }
0x4d: {  	[tilespmem:s26], [sflag:$0x2] =	stream.indirect.gather [hbm4b:s1+s18], $0x80, s25, s18, $0xb8;
	[tilespmem:$0xEB80] =	vst v63  }
0x4e: {  	s8 =	sadd.s32 $0x400, s25  }
0x4f: {  	[tilespmem:s28], [sflag:$0x2] =	stream.indirect.gather [hbm4b:s2+s18], $0x80, s8, s18, $0xb8;
	[tilespmem:$0xEB80] =	vst v63  }
0x50: {  	_ = 	snop  }
0x51: {  	[tilespmem:s29], [sflag:$0x2] =	stream.indirect.gather [hbm4b:s1+s18], $0x80, s8, s18, $0xb8;
	[tilespmem:$0xEB80] =	vst v63  }
0x52: {  	_ = 	snop  }
0x53: {  	[tilespmem:s30], [sflag:$0x2] =	stream.indirect.gather [hbm4b:s2+s18], $0x80, s25, s18, $0xb8;
	[tilespmem:$0xEB80] =	vst v63  }
0x54: {  	s22 =	sshll.u32 s24, $0x6;
	s16 =	sadd.s32 $0x200, s25  }
0x55: {  	[tilespmem:s31], [sflag:$0x2] =	stream.indirect.gather [hbm4b:s3+s18], $0x80, s16, s18, $0xb8;
	[tilespmem:$0xEB80] =	vst v63  }
0x56: {  	s8 =	sand.u32 $0x3FFFFFC0, s22  }
0x57: {  	[tilespmem:s0], [sflag:$0x2] =	stream.indirect.gather [hbm4b:s4+s18], $0x80, s16, s18, $0xb8;
	[tilespmem:$0xEB80] =	vst v63  }
0x58: {  	s21 =	sadd.s32 $0x600, s25;
	s8 =	sadd.s32 $0xE980, s8  }
0x59: {  	[tilespmem:s6], [sflag:$0x2] =	stream.indirect.gather [hbm4b:s7+s18], $0x80, s21, s18, $0xb8;
	[tilespmem:$0xEB80] =	vst v63  }
0x5a: {  	p1 =	por $0x1, $0x1;
	v16 =	vmov s8;
	s21 =	simm.s32 $0x0  }
.LBB2_3:
0x5b: {  	s13 =	sshll.u32 s21, $0xD  }
0x5c: {  	s22 =	sshrl.u32 s13, $0x2  }
0x5d: {  	v1 =	vmov s22  }
0x5e: {  	s16 =	simm.s32 $0xFFFFFFFE  }
0x5f: {  	s8 =	simm.s32 $0xE818;
	s9 =	simm.s32 $0x1880;
	s10 =	simm.s32 $0x28F0  }
0x60: {  	s11 =	simm.s32 $0x38F0;
	s12 =	simm.s32 $0x48F0;
	p0 =	por p1, p1  }
0x61: {  	s14 =	simm.s32 $0x880;
	s15 =	simm.s32 $0x68B0;
	s13 =	simm.s32 $0x58F0  }
.LBB2_4:
0x62: {  	v2 =	vld.idx.msk [tilespmem:v1+s14+$0xFFFFFF80 ss:$0x1], $0xffff  }
0x63: {  	v3 =	vld.idx.msk [tilespmem:v1+s9+$0xFFFFFF80 ss:$0x1], $0xffff  }
0x64: {  	v4 =	vld.idx.msk [tilespmem:v1+s10+$0xFFFFFF10 ss:$0x1], $0xffff  }
0x65: {  	v5 =	vld.idx.msk [tilespmem:v1+s11+$0xFFFFFF10 ss:$0x1], $0xffff  }
0x66: {  	v6 =	vld.idx.msk [tilespmem:v1+s12+$0xFFFFFF10 ss:$0x1], $0xffff  }
0x67: {  	v7 =	vld.idx.msk [tilespmem:v1+s13+$0xFFFFFF10 ss:$0x1], $0xffff  }
0x68: {  	v8 =	vld.idx.msk [tilespmem:v1+s15+$0xFFFFFF50 ss:$0x1], $0xffff  }
0x69: {  	v9 =	vld.idx.msk [tilespmem:v1+s14+$0xFFFFFF90 ss:$0x1], $0xffff  }
0x6a: {  	v10 =	vld.idx.msk [tilespmem:v1+s9+$0xFFFFFF90 ss:$0x1], $0xffff  }
0x6b: {  	v11 =	vld.idx.msk [tilespmem:v1+s10+$0xFFFFFF20 ss:$0x1], $0xffff  }
0x6c: {  	v12 =	vld.idx.msk [tilespmem:v1+s11+$0xFFFFFF20 ss:$0x1], $0xffff  }
0x6d: {  	v13 =	vld.idx.msk [tilespmem:v1+s12+$0xFFFFFF20 ss:$0x1], $0xffff  }
0x6e: {  	v14 =	vld.idx.msk [tilespmem:v1+s13+$0xFFFFFF20 ss:$0x1], $0xffff  }
0x6f: {  	v15 =	vld.idx.msk [tilespmem:v1+s15+$0xFFFFFF60 ss:$0x1], $0xffff  }
0x70: {  	v17 =	vld.idx.msk [tilespmem:v1+s14+$0xFFFFFFA0 ss:$0x1], $0xffff  }
0x71: {  	v18 =	vld.idx.msk [tilespmem:v1+s9+$0xFFFFFFA0 ss:$0x1], $0xffff  }
0x72: {  	v19 =	vld.idx.msk [tilespmem:v1+s10+$0xFFFFFF30 ss:$0x1], $0xffff  }
0x73: {  	v20 =	vld.idx.msk [tilespmem:v1+s11+$0xFFFFFF30 ss:$0x1], $0xffff  }
0x74: {  	v21 =	vld.idx.msk [tilespmem:v1+s12+$0xFFFFFF30 ss:$0x1], $0xffff  }
0x75: {  	v22 =	vld.idx.msk [tilespmem:v1+s13+$0xFFFFFF30 ss:$0x1], $0xffff  }
0x76: {  	v23 =	vld.idx.msk [tilespmem:v1+s15+$0xFFFFFF70 ss:$0x1], $0xffff  }
0x77: {  	v24 =	vld.idx.msk [tilespmem:v1+s14+$0xFFFFFFB0 ss:$0x1], $0xffff  }
0x78: {  	v25 =	vld.idx.msk [tilespmem:v1+s9+$0xFFFFFFB0 ss:$0x1], $0xffff  }
0x79: {  	v26 =	vld.idx.msk [tilespmem:v1+s10+$0xFFFFFF40 ss:$0x1], $0xffff  }
0x7a: {  	v27 =	vld.idx.msk [tilespmem:v1+s11+$0xFFFFFF40 ss:$0x1], $0xffff  }
0x7b: {  	v28 =	vld.idx.msk [tilespmem:v1+s12+$0xFFFFFF40 ss:$0x1], $0xffff  }
0x7c: {  	v32 =	vld.idx.msk [tilespmem:v1+s14+$0xFFFFFFC0 ss:$0x1], $0xffff;
	v29 =	vmul.f32 v3, v2  }
0x7d: {  	v63 =	vld.idx.msk [tilespmem:v1+s9+$0xFFFFFFC0 ss:$0x1], $0xffff;
	v30 =	vmul.f32 v5, v4;
	v2 =	vmul.f32 v5, v2  }
0x7e: {  	v33 =	vld.idx.msk [tilespmem:v1+s11+$0xFFFFFF50 ss:$0x1], $0xffff;
	v3 =	vmul.f32 v4, v3;
	v62 =	vmul.f32 v10, v9  }
0x7f: {  	v41 =	vld.idx.msk [tilespmem:v1+s10+$0xFFFFFF60 ss:$0x1], $0xffff;
	v9 =	vmul.f32 v12, v9;
	v12 =	vmul.f32 v12, v11  }
0x80: {  	v44 =	vld.idx.msk [tilespmem:v1+s11+$0xFFFFFF60 ss:$0x1], $0xffff;
	v10 =	vmul.f32 v11, v10;
	v36 =	vmul.f32 v18, v17  }
0x81: {  	v38 =	vld.idx.msk [tilespmem:v1+s14+$0xFFFFFFD0 ss:$0x1], $0xffff;
	v37 =	vmul.f32 v20, v19;
	v17 =	vmul.f32 v20, v17  }
0x82: {  	v31 =	vld.idx.msk [tilespmem:v1+s13+$0xFFFFFF40 ss:$0x1], $0xffff;
	v18 =	vmul.f32 v19, v18;
	v39 =	vmul.f32 v25, v24  }
0x83: {  	v55 =	vld.idx.msk [tilespmem:v1+s14+$0xFFFFFFF0 ss:$0x1], $0xffff;
	v40 =	vmul.f32 v27, v26;
	v42 =	vmul.f32 v27, v24  }
0x84: {  	v60 =	vld.idx.msk [tilespmem:v1+s11+$0xFFFFFF80 ss:$0x1], $0xffff;
	v43 =	vmul.f32 v26, v25;
	v48 =	vmul.f32 v63, v32  }
0x85: {  	v19 =	vld.idx.msk [tilespmem:v1+s9+$0xFFFFFFD0 ss:$0x1], $0xffff;
	v51 =	vmul.f32 v33, v32;
	v54 =	vmul.f32 v44, v41;
	v29 =	vadd.f32 v30, v29  }
0x86: {  	v50 =	vld.idx.msk [tilespmem:v1+s10+$0xFFFFFF70 ss:$0x1], $0xffff;
	v56 =	vmul.f32 v44, v38;
	v2 =	vsub.f32 v2, v3;
	v5 =	vadd.f32 v12, v62  }
0x87: {  	v3 =	vld.idx.msk [tilespmem:v1+s10+$0xFFFFFF50 ss:$0x1], $0xffff;
	v9 =	vsub.f32 v9, v10;
	v46 =	vsub.f32 v17, v18;
	v6 =	vmul.f32 v29, v6  }
0x88: {  	v18 =	vld.idx.msk [tilespmem:v1+s9+$0xFFFFFFE0 ss:$0x1], $0xffff;
	v2 =	vmul.f32 v2, v7;
	v5 =	vmul.f32 v5, v13  }
0x89: {  	v61 =	vld.idx.msk [tilespmem:v1+s15+$0xFFFFFF80 ss:$0x1], $0xffff;
	v9 =	vmul.f32 v9, v14;
	v13 =	vmul.f32 v46, v22  }
0x8a: {  	v34 =	vld.idx.msk [tilespmem:v1+s12+$0xFFFFFF50 ss:$0x1], $0xffff;
	v45 =	vadd.f32 v37, v36;
	v29 =	vmul.f32 v60, v55;
	v53 =	vmul.f32 v19, v38  }
0x8b: {  	v52 =	vld.idx.msk [tilespmem:v1+s11+$0xFFFFFF70 ss:$0x1], $0xffff;
	v19 =	vmul.f32 v41, v19;
	v2 =	vadd.f32 v2, v6;
	v5 =	vadd.f32 v9, v5  }
0x8c: {  	v35 =	vld.idx.msk [tilespmem:v1+s13+$0xFFFFFF50 ss:$0x1], $0xffff;
	v6 =	vadd.f32 v40, v39;
	v49 =	vmul.f32 v33, v3;
	v3 =	vmul.f32 v3, v63  }
0x8d: {  	v17 =	vld.idx.msk [tilespmem:v1+s14+$0xFFFFFFE0 ss:$0x1], $0xffff;
	v9 =	vsub.f32 v42, v43;
	v26 =	vmul.f32 v50, v18;
	v2 =	vmul.f32 v2, v8  }
0x8e: {  	v57 =	vld.idx.msk [tilespmem:v1+s9+$0xFFFFFFF0 ss:$0x1], $0xffff;
	v5 =	vmul.f32 v5, v15;
	v8 =	vmul.f32 v45, v21  }
0x8f: {  	v58 =	vld.idx.msk [tilespmem:v1+s10+$0xFFFFFF80 ss:$0x1], $0xffff;
	v6 =	vmul.f32 v6, v28;
	v9 =	vmul.f32 v9, v31;
	v20 =	vadd.f32 v49, v48  }
0x90: {  	v15 =	vld.idx.msk [tilespmem:v1+s13+$0xFFFFFF60 ss:$0x1], $0xffff;
	v21 =	vmul.f32 v52, v50;
	v3 =	vsub.f32 v51, v3;
	v2 =	vadd.f32 $0.0e+00, v2  }
0x91: {  	v8 =	vadd.f32 v13, v8;
	v6 =	vadd.f32 v9, v6;
	v7 =	vmul.f32 v20, v34  }
0x92: {  	v47 =	vld.idx.msk [tilespmem:v1+s12+$0xFFFFFF60 ss:$0x1], $0xffff;
	v9 =	vsub.f32 v56, v19;
	v3 =	vmul.f32 v3, v35;
	v20 =	vmul.f32 v18, v17  }
0x93: {  	v62 =	vld.idx.msk [tilespmem:v1+s12+$0xFFFFFF70 ss:$0x1], $0xffff;
	v2 =	vadd.f32 v5, v2;
	v8 =	vmul.f32 v8, v23;
	v4 =	vmul.f32 v6, v61  }
0x94: {  	v59 =	vadd.f32 v54, v53;
	v63 =	vld.idx.msk [tilespmem:v1+s13+$0xFFFFFF70 ss:$0x1], $0xffff;
	v23 =	vmul.f32 v52, v17;
	v17 =	vmul.f32 v60, v58  }
0x95: {  	v28 =	vld.idx.msk [tilespmem:v1+s13+$0xFFFFFF80 ss:$0x1], $0xffff;
	v5 =	vmul.f32 v58, v57;
	v61 =	vmul.f32 v9, v15;
	v2 =	vadd.f32 v8, v2  }
0x96: {  	v27 =	vld.idx.msk [tilespmem:v1+s12+$0xFFFFFF80 ss:$0x1], $0xffff;
	v3 =	vadd.f32 v3, v7;
	v12 =	vadd.f32 v21, v20;
	v15 =	vmul.f32 v57, v55  }
0x97: {  	v6 =	vmul.f32 v59, v47;
	v7 =	vsub.f32 v23, v26;
	v2 =	vadd.f32 v4, v2  }
0x98: {  	v5 =	vsub.f32 v29, v5;
	v30 =	vmul.f32 v12, v62;
	v31 =	vadd.f32 v17, v15  }
0x99: {  	v4 =	vmul.f32 v7, v63;
	v2 =	vadd.f32 v3, v2;
	v3 =	vadd.f32 v61, v6  }
0x9a: {  	v5 =	vmul.f32 v5, v28  }
0x9b: {  	v32 =	vmul.f32 v31, v27;
	v2 =	vadd.f32 v3, v2;
	v3 =	vadd.f32 v4, v30;
	_ =	sdelay $0x1  }
0x9c: {  	v2 =	vadd.f32 v3, v2;
	v3 =	vadd.f32 v5, v32;
	_ =	sdelay $0x1  }
0x9d: {  	v2 =	vadd.f32 v3, v2;
	_ =	sdelay $0x1  }
0x9e: {  	[tilespmem:s8+$0xFFFFFFE8] =	vst v2  }
0x9f: {  	v2 =	vld.idx.msk [tilespmem:v1+s14+$0x0 ss:$0x1], $0xffff  }
0xa0: {  	v3 =	vld.idx.msk [tilespmem:v1+s9+$0x0 ss:$0x1], $0xffff  }
0xa1: {  	v33 =	vld.idx.msk [tilespmem:v1+s10+$0xFFFFFF90 ss:$0x1], $0xffff  }
0xa2: {  	v34 =	vld.idx.msk [tilespmem:v1+s11+$0xFFFFFF90 ss:$0x1], $0xffff  }
0xa3: {  	v35 =	vld.idx.msk [tilespmem:v1+s12+$0xFFFFFF90 ss:$0x1], $0xffff  }
0xa4: {  	v36 =	vld.idx.msk [tilespmem:v1+s13+$0xFFFFFF90 ss:$0x1], $0xffff  }
0xa5: {  	v37 =	vld.idx.msk [tilespmem:v1+s15+$0xFFFFFFD0 ss:$0x1], $0xffff  }
0xa6: {  	v38 =	vld.idx.msk [tilespmem:v1+s14+$0x10 ss:$0x1], $0xffff  }
0xa7: {  	v39 =	vld.idx.msk [tilespmem:v1+s9+$0x10 ss:$0x1], $0xffff  }
0xa8: {  	v40 =	vld.idx.msk [tilespmem:v1+s10+$0xFFFFFFA0 ss:$0x1], $0xffff  }
0xa9: {  	v41 =	vld.idx.msk [tilespmem:v1+s11+$0xFFFFFFA0 ss:$0x1], $0xffff  }
0xaa: {  	v42 =	vld.idx.msk [tilespmem:v1+s12+$0xFFFFFFA0 ss:$0x1], $0xffff  }
0xab: {  	v43 =	vld.idx.msk [tilespmem:v1+s13+$0xFFFFFFA0 ss:$0x1], $0xffff  }
0xac: {  	v15 =	vld.idx.msk [tilespmem:v1+s15+$0xFFFFFFE0 ss:$0x1], $0xffff  }
0xad: {  	v17 =	vld.idx.msk [tilespmem:v1+s14+$0x20 ss:$0x1], $0xffff  }
0xae: {  	v18 =	vld.idx.msk [tilespmem:v1+s9+$0x20 ss:$0x1], $0xffff  }
0xaf: {  	v19 =	vld.idx.msk [tilespmem:v1+s10+$0xFFFFFFB0 ss:$0x1], $0xffff  }
0xb0: {  	v44 =	vld.idx.msk [tilespmem:v1+s11+$0xFFFFFFB0 ss:$0x1], $0xffff  }
0xb1: {  	v45 =	vld.idx.msk [tilespmem:v1+s12+$0xFFFFFFB0 ss:$0x1], $0xffff  }
0xb2: {  	v46 =	vld.idx.msk [tilespmem:v1+s13+$0xFFFFFFB0 ss:$0x1], $0xffff  }
0xb3: {  	v23 =	vld.idx.msk [tilespmem:v1+s15+$0xFFFFFFF0 ss:$0x1], $0xffff  }
0xb4: {  	v47 =	vld.idx.msk [tilespmem:v1+s14+$0x30 ss:$0x1], $0xffff  }
0xb5: {  	v48 =	vld.idx.msk [tilespmem:v1+s9+$0x30 ss:$0x1], $0xffff  }
0xb6: {  	v49 =	vld.idx.msk [tilespmem:v1+s10+$0xFFFFFFC0 ss:$0x1], $0xffff  }
0xb7: {  	v50 =	vld.idx.msk [tilespmem:v1+s11+$0xFFFFFFC0 ss:$0x1], $0xffff  }
0xb8: {  	v53 =	vld.idx.msk [tilespmem:v1+s12+$0xFFFFFFC0 ss:$0x1], $0xffff  }
0xb9: {  	v54 =	vld.idx.msk [tilespmem:v1+s13+$0xFFFFFFC0 ss:$0x1], $0xffff;
	v51 =	vmul.f32 v3, v2  }
0xba: {  	v56 =	vld.idx.msk [tilespmem:v1+s15+$0x0 ss:$0x1], $0xffff;
	v52 =	vmul.f32 v34, v33;
	v2 =	vmul.f32 v34, v2  }
0xbb: {  	v57 =	vld.idx.msk [tilespmem:v1+s14+$0x40 ss:$0x1], $0xffff;
	v3 =	vmul.f32 v33, v3;
	v55 =	vmul.f32 v39, v38  }
0xbc: {  	v58 =	vld.idx.msk [tilespmem:v1+s10+$0xFFFFFFD0 ss:$0x1], $0xffff;
	v9 =	vmul.f32 v41, v38;
	v12 =	vmul.f32 v41, v40  }
0xbd: {  	v59 =	vld.idx.msk [tilespmem:v1+s11+$0xFFFFFFD0 ss:$0x1], $0xffff;
	v10 =	vmul.f32 v40, v39;
	v61 =	vmul.f32 v18, v17  }
0xbe: {  	v62 =	vmul.f32 v44, v19;
	v18 =	vmul.f32 v19, v18;
	v19 =	vld.idx.msk [tilespmem:v1+s14+$0x50 ss:$0x1], $0xffff  }
0xbf: {  	v17 =	vmul.f32 v44, v17;
	v29 =	vmul.f32 v48, v47;
	v33 =	vld.idx.msk [tilespmem:v1+s9+$0x50 ss:$0x1], $0xffff  }
0xc0: {  	v32 =	vmul.f32 v50, v47;
	v34 =	vmul.f32 v50, v49;
	v38 =	vld.idx.msk [tilespmem:v1+s11+$0xFFFFFFE0 ss:$0x1], $0xffff  }
0xc1: {  	v25 =	vmul.f32 v49, v48;
	v40 =	vld.idx.msk [tilespmem:v1+s14+$0x60 ss:$0x1], $0xffff;
	v28 =	vadd.f32 v52, v51;
	v2 =	vsub.f32 v2, v3  }
0xc2: {  	v41 =	vmul.f32 v59, v58;
	v44 =	vld.idx.msk [tilespmem:v1+s10+$0xFFFFFFF0 ss:$0x1], $0xffff;
	v5 =	vadd.f32 v12, v55;
	v9 =	vsub.f32 v9, v10  }
0xc3: {  	v47 =	vld.idx.msk [tilespmem:v1+s11+$0xFFFFFFF0 ss:$0x1], $0xffff;
	v39 =	vsub.f32 v32, v25;
	v6 =	vmul.f32 v28, v35;
	v2 =	vmul.f32 v2, v36  }
0xc4: {  	v3 =	vld.idx.msk [tilespmem:v1+s9+$0x40 ss:$0x1], $0xffff;
	v5 =	vmul.f32 v5, v42;
	v9 =	vmul.f32 v9, v43;
	v36 =	vadd.f32 v62, v61  }
0xc5: {  	v35 =	vld.idx.msk [tilespmem:v1+s10+$0xFFFFFFE0 ss:$0x1], $0xffff;
	v4 =	vmul.f32 v39, v54;
	v43 =	vmul.f32 v59, v57;
	v2 =	vadd.f32 v2, v6  }
0xc6: {  	v42 =	vld.idx.msk [tilespmem:v1+s9+$0x60 ss:$0x1], $0xffff;
	v5 =	vadd.f32 v9, v5;
	v6 =	vadd.f32 v34, v29;
	v8 =	vmul.f32 v36, v45  }
0xc7: {  	v60 =	vld.idx.msk [tilespmem:v1+s12+$0xFFFFFFD0 ss:$0x1], $0xffff;
	v45 =	vmul.f32 v33, v19;
	v2 =	vmul.f32 v2, v37  }
0xc8: {  	v63 =	vld.idx.msk [tilespmem:v1+s13+$0xFFFFFFD0 ss:$0x1], $0xffff;
	v5 =	vmul.f32 v5, v15;
	v6 =	vmul.f32 v6, v53  }
0xc9: {  	v50 =	vld.idx.msk [tilespmem:v1+s9+$0x70 ss:$0x1], $0xffff;
	v37 =	vsub.f32 v17, v18;
	v18 =	vmul.f32 v3, v57;
	v3 =	vmul.f32 v58, v3  }
0xca: {  	v15 =	vld.idx.msk [tilespmem:v1+s12+$0xFFFFFFE0 ss:$0x1], $0xffff;
	v57 =	vmul.f32 v47, v40;
	v48 =	vmul.f32 v38, v35  }
0xcb: {  	v52 =	vld.idx.msk [tilespmem:v1+s11+$0x0 ss:$0x1], $0xffff;
	v49 =	vmul.f32 v35, v33;
	v7 =	vmul.f32 v44, v42;
	v2 =	vadd.f32 $0.0e+00, v2  }
0xcc: {  	v17 =	vld.idx.msk [tilespmem:v1+s13+$0xFFFFFFE0 ss:$0x1], $0xffff;
	v13 =	vmul.f32 v37, v46;
	v4 =	vadd.f32 v4, v6;
	v18 =	vadd.f32 v41, v18  }
0xcd: {  	v54 =	vld.idx.msk [tilespmem:v1+s10+$0x0 ss:$0x1], $0xffff;
	v46 =	vmul.f32 v38, v19;
	v3 =	vsub.f32 v43, v3;
	v6 =	vadd.f32 v48, v45  }
0xce: {  	v19 =	vld.idx.msk [tilespmem:v1+s14+$0x70 ss:$0x1], $0xffff;
	v8 =	vadd.f32 v13, v8;
	v4 =	vmul.f32 v4, v56;
	v53 =	vmul.f32 v18, v60  }
0xcf: {  	v51 =	vsub.f32 v46, v49;
	v3 =	vmul.f32 v3, v63;
	v6 =	vmul.f32 v6, v15  }
0xd0: {  	v55 =	vld.idx.msk [tilespmem:v1+s12+$0xFFFFFFF0 ss:$0x1], $0xffff;
	v2 =	vadd.f32 v5, v2;
	v15 =	vmul.f32 v42, v40;
	v8 =	vmul.f32 v8, v23  }
0xd1: {  	v7 =	vsub.f32 v57, v7;
	v56 =	vld.idx.msk [tilespmem:v1+s13+$0xFFFFFFF0 ss:$0x1], $0xffff;
	v10 =	vmul.f32 v51, v17;
	v17 =	vmul.f32 v47, v44  }
0xd2: {  	v58 =	vld.idx.msk [tilespmem:v1+s12+$0x0 ss:$0x1], $0xffff;
	v60 =	vmul.f32 v52, v54;
	v5 =	vmul.f32 v54, v50;
	v2 =	vadd.f32 v8, v2  }
0xd3: {  	v18 =	vmul.f32 v52, v19;
	v59 =	vadd.f32 v17, v15;
	v15 =	vld.idx.msk [tilespmem:v1+s13+$0x0 ss:$0x1], $0xffff;
	v17 =	vmul.f32 v50, v19  }
0xd4: {  	v3 =	vadd.f32 v3, v53;
	v2 =	vadd.f32 v4, v2  }
0xd5: {  	v5 =	vsub.f32 v18, v5;
	v61 =	vmul.f32 v59, v55;
	v62 =	vadd.f32 v60, v17  }
0xd6: {  	v4 =	vmul.f32 v7, v56;
	v2 =	vadd.f32 v3, v2;
	v3 =	vadd.f32 v10, v6  }
0xd7: {  	v63 =	vmul.f32 v62, v58  }
0xd8: {  	s16 =	sadd.s32 $0x2, s16;
	v5 =	vmul.f32 v5, v15;
	v2 =	vadd.f32 v3, v2;
	v3 =	vadd.f32 v4, v61  }
0xd9: {  	p1 =	slt.u32 s16, $0xE  }
.Ltmp0:
0xda: {  	v2 =	vadd.f32 v3, v2;
	v3 =	vadd.f32 v5, v63;
	(pc) =	sbr.rel @p1 .LBB2_4-.Ltmp0, $4  }
0xdb: {  	_ = 	snop  }
0xdc: {  	s15 =	sadd.s32 $0x100, s15;
	s11 =	sadd.s32 $0x100, s11;
	v2 =	vadd.f32 v3, v2  }
0xdd: {  	s9 =	sadd.s32 $0x100, s9;
	s10 =	sadd.s32 $0x100, s10;
	s12 =	sadd.s32 $0x100, s12  }
0xde: {  	s14 =	sadd.s32 $0x100, s14;
	s13 =	sadd.s32 $0x100, s13;
	[tilespmem:s8+$0x0] =	vst v2;
	s8 =	sadd.s32 $0x30, s8  }
0xdf: {  	_ = 	snop  }
0xe0: {  	v1 =	vor.u32 $0x1, v0;
	_ =	sdelay $0x1  }
0xe1: {  	v2 =	vor.u32 $0x2, v0  }
0xe2: {  	v5 =	vld.idx.msk [tilespmem:v0+s19+$0x0], $0xffff  }
0xe3: {  	v3 =	vor.u32 $0x3, v0  }
0xe4: {  	v6 =	vld.idx.msk [tilespmem:v1+s19+$0x0], $0xffff  }
0xe5: {  	v4 =	vor.u32 $0x4, v0  }
0xe6: {  	v7 =	vld.idx.msk [tilespmem:v2+s19+$0x0], $0xffff  }
0xe7: {  	v8 =	vadd.f32 $0.0e+00, v5;
	v5 =	vor.u32 $0x5, v0  }
0xe8: {  	v9 =	vld.idx.msk [tilespmem:v3+s19+$0x0], $0xffff  }
0xe9: {  	v8 =	vadd.f32 v6, v8;
	v6 =	vor.u32 $0x6, v0  }
0xea: {  	v10 =	vld.idx.msk [tilespmem:v4+s19+$0x0], $0xffff  }
0xeb: {  	v8 =	vadd.f32 v7, v8;
	v7 =	vor.u32 $0x7, v0  }
0xec: {  	v11 =	vld.idx.msk [tilespmem:v5+s19+$0x0], $0xffff  }
0xed: {  	v9 =	vadd.f32 v9, v8;
	v8 =	vadd.s32 $0x8, v0  }
0xee: {  	v12 =	vld.idx.msk [tilespmem:v6+s19+$0x0], $0xffff  }
0xef: {  	v10 =	vadd.f32 v10, v9;
	v9 =	vadd.s32 $0x9, v0  }
0xf0: {  	v13 =	vld.idx.msk [tilespmem:v7+s19+$0x0], $0xffff  }
0xf1: {  	v11 =	vadd.f32 v11, v10;
	v10 =	vadd.s32 $0xA, v0  }
0xf2: {  	v14 =	vld.idx.msk [tilespmem:v8+s19+$0x0], $0xffff  }
0xf3: {  	v12 =	vadd.f32 v12, v11;
	v11 =	vadd.s32 $0xB, v0  }
0xf4: {  	v15 =	vld.idx.msk [tilespmem:v9+s19+$0x0], $0xffff  }
0xf5: {  	v13 =	vadd.f32 v13, v12;
	v12 =	vadd.s32 $0xC, v0  }
0xf6: {  	v17 =	vld.idx.msk [tilespmem:v10+s19+$0x0], $0xffff  }
0xf7: {  	v14 =	vadd.f32 v14, v13;
	v13 =	vadd.s32 $0xD, v0  }
0xf8: {  	v18 =	vld.idx.msk [tilespmem:v11+s19+$0x0], $0xffff  }
0xf9: {  	v15 =	vadd.f32 v15, v14;
	v14 =	vadd.s32 $0xE, v0  }
0xfa: {  	v19 =	vld.idx.msk [tilespmem:v12+s19+$0x0], $0xffff  }
0xfb: {  	v17 =	vadd.f32 v17, v15;
	v15 =	vadd.s32 $0xF, v0  }
0xfc: {  	v20 =	vld.idx.msk [tilespmem:v13+s19+$0x0], $0xffff  }
0xfd: {  	v17 =	vadd.f32 v18, v17  }
0xfe: {  	v18 =	vld.idx.msk [tilespmem:v14+s19+$0x0], $0xffff  }
0xff: {  	v17 =	vadd.f32 v19, v17  }
0x100: {  	v19 =	vld.idx.msk [tilespmem:v15+s19+$0x0], $0xffff  }
0x101: {  	v17 =	vadd.f32 v20, v17;
	_ =	sdelay $0x1  }
.Ltmp1:
0x102: {  	v17 =	vadd.f32 v18, v17;
	(pc) =	sbr.rel @p0 .LBB2_3-.Ltmp1, $4  }
0x103: {  	_ = 	snop  }
0x104: {  	s8 =	sshll.u32 s21, $0x4;
	v17 =	vadd.f32 v19, v17  }
0x105: {  	s8 =	sand.u32 $0x3FFFFFF0, s8  }
0x106: {  	s21 =	simm.s32 $0x1;
	p1 =	por $0x0, $0x0;
	[tilespmem:v16+s8+$0x0 ss:$0x1] =	vst.idx.msk $0xffff, v17  }
0x107: {  	_ =	swait.ge [sflag:s20], $0x1000  }
0x108: {  	[sflag:s20] =	ssyncset.done $0x0  }
0x109: {  	[sflag:s20] =	ssyncadd.s32 $0xFFFFF000  }
0x10a: {  	_ =	swait.ge [sflag:s20], $0x1000  }
0x10b: {  	[sflag:s20] =	ssyncset.done $0x0  }
0x10c: {  	[sflag:s20] =	ssyncadd.s32 $0xFFFFF000  }
0x10d: {  	_ =	swait.ge [sflag:s20], $0x1000  }
0x10e: {  	[sflag:s20] =	ssyncset.done $0x0  }
0x10f: {  	[sflag:s20] =	ssyncadd.s32 $0xFFFFF000  }
0x110: {  	_ =	swait.ge [sflag:s20], $0x1000  }
0x111: {  	[sflag:s20] =	ssyncset.done $0x0  }
0x112: {  	[sflag:s20] =	ssyncadd.s32 $0xFFFFF000  }
0x113: {  	_ =	swait.ge [sflag:s20], $0x1000  }
0x114: {  	[sflag:s20] =	ssyncset.done $0x0  }
0x115: {  	[sflag:s20] =	ssyncadd.s32 $0xFFFFF000  }
0x116: {  	_ =	swait.ge [sflag:s20], $0x1000  }
0x117: {  	[sflag:s20] =	ssyncset.done $0x0  }
0x118: {  	[sflag:s20] =	ssyncadd.s32 $0xFFFFF000  }
0x119: {  	p0 =	seq.s32 s24, $0x7;
	_ =	swait.ge [sflag:s20], $0x1000  }
0x11a: {  	s8 =	sshll.u32 @!p0 s24, $0x6;
	s10 =	simm.s32 @!p0 $0x20;
	[sflag:s20] =	ssyncset.done $0x0  }
0x11b: {  	s11 =	simm.s32 @!p0 $0x800;
	s9 =	sadd.s32 @!p0 $0x40, s8;
	[sflag:s20] =	ssyncadd.s32 $0xFFFFF000  }
0x11c: {  	[tilespmem:s11], [sflag:$0x1] =	stream.indirect.gather @!p0 [hbm4b:s1+s10], $0x80, s9, s10, $0xb8;
	[tilespmem:$0xEB80] =	vst v63  }
0x11d: {  	s12 =	simm.s32 @!p0 $0x1800;
	s11 =	sadd.s32 @!p0 $0x440, s8  }
0x11e: {  	[tilespmem:s12], [sflag:$0x1] =	stream.indirect.gather @!p0 [hbm4b:s2+s10], $0x80, s11, s10, $0xb8;
	[tilespmem:$0xEB80] =	vst v63  }
0x11f: {  	s12 =	simm.s32 @!p0 $0x2800  }
0x120: {  	[tilespmem:s12], [sflag:$0x1] =	stream.indirect.gather @!p0 [hbm4b:s1+s10], $0x80, s11, s10, $0xb8;
	[tilespmem:$0xEB80] =	vst v63  }
0x121: {  	s11 =	simm.s32 @!p0 $0x3800  }
0x122: {  	[tilespmem:s11], [sflag:$0x1] =	stream.indirect.gather @!p0 [hbm4b:s2+s10], $0x80, s9, s10, $0xb8;
	[tilespmem:$0xEB80] =	vst v63  }
0x123: {  	s9 =	sadd.s32 @!p0 $0x240, s8;
	s11 =	simm.s32 @!p0 $0x4800  }
0x124: {  	[tilespmem:s11], [sflag:$0x1] =	stream.indirect.gather @!p0 [hbm4b:s3+s10], $0x80, s9, s10, $0xb8;
	[tilespmem:$0xEB80] =	vst v63  }
0x125: {  	s11 =	simm.s32 @!p0 $0x5800  }
0x126: {  	[tilespmem:s11], [sflag:$0x1] =	stream.indirect.gather @!p0 [hbm4b:s4+s10], $0x80, s9, s10, $0xb8;
	[tilespmem:$0xEB80] =	vst v63  }
0x127: {  	s25 =	sand.u32 $0x3FFFFFE0, s25;
	s8 =	sadd.s32 @!p0 $0x640, s8;
	s9 =	simm.s32 @!p0 $0x6800  }
0x128: {  	[tilespmem:s9], [sflag:$0x1] =	stream.indirect.gather @!p0 [hbm4b:s7+s10], $0x80, s8, s10, $0xb8;
	[tilespmem:$0xEB80] =	vst v63  }
0x129: {  	s8 =	sadd.s32 $0xE980, s25  }
0x12a: {  	s21 =	simm.s32 $0x0;
	p1 =	por $0x1, $0x1;
	v16 =	vmov s8  }
.LBB2_7:
0x12b: {  	s13 =	sshll.u32 s21, $0xD  }
0x12c: {  	s22 =	sshrl.u32 s13, $0x2  }
0x12d: {  	v17 =	vmov s22  }
0x12e: {  	s16 =	simm.s32 $0xFFFFFFFE  }
0x12f: {  	s8 =	simm.s32 $0xE818;
	s9 =	simm.s32 $0x8880;
	s10 =	simm.s32 $0x98F0  }
0x130: {  	s11 =	simm.s32 $0xA8F0;
	s12 =	simm.s32 $0xB8F0;
	p0 =	por p1, p1  }
0x131: {  	s14 =	simm.s32 $0x7880;
	s15 =	simm.s32 $0xD8B0;
	s13 =	simm.s32 $0xC8F0  }
.LBB2_8:
0x132: {  	v18 =	vld.idx.msk [tilespmem:v17+s14+$0xFFFFFF80 ss:$0x1], $0xffff  }
0x133: {  	v19 =	vld.idx.msk [tilespmem:v17+s9+$0xFFFFFF80 ss:$0x1], $0xffff  }
0x134: {  	v20 =	vld.idx.msk [tilespmem:v17+s10+$0xFFFFFF10 ss:$0x1], $0xffff  }
0x135: {  	v21 =	vld.idx.msk [tilespmem:v17+s11+$0xFFFFFF10 ss:$0x1], $0xffff  }
0x136: {  	v22 =	vld.idx.msk [tilespmem:v17+s12+$0xFFFFFF10 ss:$0x1], $0xffff  }
0x137: {  	v23 =	vld.idx.msk [tilespmem:v17+s13+$0xFFFFFF10 ss:$0x1], $0xffff  }
0x138: {  	v24 =	vld.idx.msk [tilespmem:v17+s15+$0xFFFFFF50 ss:$0x1], $0xffff  }
0x139: {  	v25 =	vld.idx.msk [tilespmem:v17+s14+$0xFFFFFF90 ss:$0x1], $0xffff  }
0x13a: {  	v26 =	vld.idx.msk [tilespmem:v17+s9+$0xFFFFFF90 ss:$0x1], $0xffff  }
0x13b: {  	v27 =	vld.idx.msk [tilespmem:v17+s10+$0xFFFFFF20 ss:$0x1], $0xffff  }
0x13c: {  	v28 =	vld.idx.msk [tilespmem:v17+s11+$0xFFFFFF20 ss:$0x1], $0xffff  }
0x13d: {  	v29 =	vld.idx.msk [tilespmem:v17+s12+$0xFFFFFF20 ss:$0x1], $0xffff  }
0x13e: {  	v30 =	vld.idx.msk [tilespmem:v17+s13+$0xFFFFFF20 ss:$0x1], $0xffff  }
0x13f: {  	v31 =	vld.idx.msk [tilespmem:v17+s15+$0xFFFFFF60 ss:$0x1], $0xffff  }
0x140: {  	v32 =	vld.idx.msk [tilespmem:v17+s14+$0xFFFFFFA0 ss:$0x1], $0xffff  }
0x141: {  	v33 =	vld.idx.msk [tilespmem:v17+s9+$0xFFFFFFA0 ss:$0x1], $0xffff  }
0x142: {  	v34 =	vld.idx.msk [tilespmem:v17+s10+$0xFFFFFF30 ss:$0x1], $0xffff  }
0x143: {  	v35 =	vld.idx.msk [tilespmem:v17+s11+$0xFFFFFF30 ss:$0x1], $0xffff  }
0x144: {  	v36 =	vld.idx.msk [tilespmem:v17+s12+$0xFFFFFF30 ss:$0x1], $0xffff  }
0x145: {  	v37 =	vld.idx.msk [tilespmem:v17+s13+$0xFFFFFF30 ss:$0x1], $0xffff  }
0x146: {  	v38 =	vld.idx.msk [tilespmem:v17+s15+$0xFFFFFF70 ss:$0x1], $0xffff  }
0x147: {  	v39 =	vld.idx.msk [tilespmem:v17+s14+$0xFFFFFFB0 ss:$0x1], $0xffff  }
0x148: {  	v40 =	vld.idx.msk [tilespmem:v17+s9+$0xFFFFFFB0 ss:$0x1], $0xffff  }
0x149: {  	v41 =	vld.idx.msk [tilespmem:v17+s10+$0xFFFFFF40 ss:$0x1], $0xffff  }
0x14a: {  	v42 =	vld.idx.msk [tilespmem:v17+s11+$0xFFFFFF40 ss:$0x1], $0xffff  }
0x14b: {  	v43 =	vld.idx.msk [tilespmem:v17+s12+$0xFFFFFF40 ss:$0x1], $0xffff  }
0x14c: {  	v46 =	vld.idx.msk [tilespmem:v17+s13+$0xFFFFFF40 ss:$0x1], $0xffff;
	v44 =	vmul.f32 v19, v18  }
0x14d: {  	v47 =	vld.idx.msk [tilespmem:v17+s14+$0xFFFFFFC0 ss:$0x1], $0xffff;
	v45 =	vmul.f32 v21, v20;
	v18 =	vmul.f32 v21, v18  }
0x14e: {  	v63 =	vld.idx.msk [tilespmem:v17+s11+$0xFFFFFF60 ss:$0x1], $0xffff;
	v19 =	vmul.f32 v20, v19;
	v56 =	vmul.f32 v26, v25  }
0x14f: {  	v53 =	vld.idx.msk [tilespmem:v17+s9+$0xFFFFFFE0 ss:$0x1], $0xffff;
	v25 =	vmul.f32 v28, v25;
	v28 =	vmul.f32 v28, v27  }
0x150: {  	v26 =	vmul.f32 v27, v26;
	v27 =	vld.idx.msk [tilespmem:v17+s9+$0xFFFFFFC0 ss:$0x1], $0xffff;
	v57 =	vmul.f32 v33, v32  }
0x151: {  	v58 =	vmul.f32 v35, v34;
	v32 =	vmul.f32 v35, v32;
	v18 =	vsub.f32 v18, v19;
	v19 =	vld.idx.msk [tilespmem:v17+s10+$0xFFFFFF50 ss:$0x1], $0xffff  }
0x152: {  	v33 =	vmul.f32 v34, v33;
	v59 =	vmul.f32 v40, v39;
	v25 =	vsub.f32 v25, v26;
	v26 =	vld.idx.msk [tilespmem:v17+s11+$0xFFFFFF50 ss:$0x1], $0xffff  }
0x153: {  	v60 =	vmul.f32 v42, v41;
	v61 =	vmul.f32 v42, v39;
	v44 =	vadd.f32 v45, v44;
	v45 =	vld.idx.msk [tilespmem:v17+s10+$0xFFFFFF60 ss:$0x1], $0xffff  }
0x154: {  	v62 =	vmul.f32 v41, v40;
	v21 =	vadd.f32 v28, v56;
	v48 =	vadd.f32 v58, v57;
	v56 =	vld.idx.msk [tilespmem:v17+s10+$0xFFFFFF70 ss:$0x1], $0xffff  }
0x155: {  	v49 =	vsub.f32 v32, v33;
	v58 =	vld.idx.msk [tilespmem:v17+s11+$0xFFFFFF70 ss:$0x1], $0xffff;
	v22 =	vmul.f32 v44, v22;
	v18 =	vmul.f32 v18, v23  }
0x156: {  	v50 =	vld.idx.msk [tilespmem:v17+s12+$0xFFFFFF60 ss:$0x1], $0xffff;
	v21 =	vmul.f32 v21, v29;
	v25 =	vmul.f32 v25, v30  }
0x157: {  	v52 =	vld.idx.msk [tilespmem:v17+s14+$0xFFFFFFE0 ss:$0x1], $0xffff;
	v29 =	vmul.f32 v49, v37;
	v54 =	vmul.f32 v27, v47;
	v18 =	vadd.f32 v18, v22  }
0x158: {  	v34 =	vld.idx.msk [tilespmem:v17+s9+$0xFFFFFFD0 ss:$0x1], $0xffff;
	v21 =	vadd.f32 v25, v21;
	v55 =	vmul.f32 v26, v19;
	v57 =	vmul.f32 v26, v47  }
0x159: {  	v44 =	vld.idx.msk [tilespmem:v17+s14+$0xFFFFFFD0 ss:$0x1], $0xffff;
	v22 =	vadd.f32 v60, v59;
	v19 =	vmul.f32 v19, v27;
	v60 =	vmul.f32 v63, v45  }
0x15a: {  	v20 =	vld.idx.msk [tilespmem:v17+s15+$0xFFFFFF80 ss:$0x1], $0xffff;
	v47 =	vmul.f32 v58, v56;
	v49 =	vmul.f32 v56, v53  }
0x15b: {  	v42 =	vld.idx.msk [tilespmem:v17+s11+$0xFFFFFF80 ss:$0x1], $0xffff;
	v25 =	vsub.f32 v61, v62;
	v18 =	vmul.f32 v18, v24;
	v21 =	vmul.f32 v21, v31  }
0x15c: {  	v28 =	vld.idx.msk [tilespmem:v17+s13+$0xFFFFFF50 ss:$0x1], $0xffff;
	v24 =	vmul.f32 v48, v36;
	v22 =	vmul.f32 v22, v43  }
0x15d: {  	v23 =	vld.idx.msk [tilespmem:v17+s12+$0xFFFFFF50 ss:$0x1], $0xffff;
	v25 =	vmul.f32 v25, v46;
	v46 =	vmul.f32 v53, v52  }
0x15e: {  	v61 =	vld.idx.msk [tilespmem:v17+s14+$0xFFFFFFF0 ss:$0x1], $0xffff;
	v48 =	vmul.f32 v58, v52;
	v59 =	vmul.f32 v34, v44;
	v35 =	vadd.f32 v55, v54  }
0x15f: {  	v51 =	vld.idx.msk [tilespmem:v17+s13+$0xFFFFFF60 ss:$0x1], $0xffff;
	v62 =	vmul.f32 v63, v44;
	v18 =	vadd.f32 $0.0e+00, v18;
	v24 =	vadd.f32 v29, v24  }
0x160: {  	v34 =	vmul.f32 v45, v34;
	v63 =	vld.idx.msk [tilespmem:v17+s9+$0xFFFFFFF0 ss:$0x1], $0xffff;
	v19 =	vsub.f32 v57, v19;
	v22 =	vadd.f32 v25, v22  }
0x161: {  	v41 =	vadd.f32 v60, v59;
	v18 =	vadd.f32 v21, v18;
	v24 =	vmul.f32 v24, v38;
	v38 =	vld.idx.msk [tilespmem:v17+s10+$0xFFFFFF80 ss:$0x1], $0xffff  }
0x162: {  	v44 =	vld.idx.msk [tilespmem:v17+s12+$0xFFFFFF70 ss:$0x1], $0xffff;
	v25 =	vsub.f32 v62, v34;
	v23 =	vmul.f32 v35, v23;
	v19 =	vmul.f32 v19, v28  }
0x163: {  	v45 =	vld.idx.msk [tilespmem:v17+s13+$0xFFFFFF70 ss:$0x1], $0xffff;
	v54 =	vmul.f32 v42, v61;
	v20 =	vmul.f32 v22, v20;
	v18 =	vadd.f32 v24, v18  }
0x164: {  	v28 =	vadd.f32 v47, v46;
	v22 =	vmul.f32 v41, v50;
	v43 =	vmul.f32 v25, v51;
	v50 =	vld.idx.msk [tilespmem:v17+s12+$0xFFFFFF80 ss:$0x1], $0xffff  }
0x165: {  	v19 =	vadd.f32 v19, v23;
	v51 =	vld.idx.msk [tilespmem:v17+s13+$0xFFFFFF80 ss:$0x1], $0xffff;
	v52 =	vmul.f32 v63, v61;
	v18 =	vadd.f32 v20, v18  }
0x166: {  	v23 =	vsub.f32 v48, v49;
	v53 =	vmul.f32 v42, v38;
	v21 =	vmul.f32 v38, v63  }
0x167: {  	v55 =	vmul.f32 v28, v44;
	v18 =	vadd.f32 v19, v18;
	v19 =	vadd.f32 v43, v22  }
0x168: {  	v20 =	vmul.f32 v23, v45;
	v56 =	vadd.f32 v53, v52;
	v21 =	vsub.f32 v54, v21  }
0x169: {  	v18 =	vadd.f32 v19, v18  }
0x16a: {  	v19 =	vadd.f32 v20, v55;
	v57 =	vmul.f32 v56, v50;
	v21 =	vmul.f32 v21, v51;
	_ =	sdelay $0x1  }
0x16b: {  	v18 =	vadd.f32 v19, v18;
	v19 =	vadd.f32 v21, v57;
	_ =	sdelay $0x1  }
0x16c: {  	v18 =	vadd.f32 v19, v18;
	_ =	sdelay $0x1  }
0x16d: {  	[tilespmem:s8+$0xFFFFFFE8] =	vst v18  }
0x16e: {  	v18 =	vld.idx.msk [tilespmem:v17+s14+$0x0 ss:$0x1], $0xffff  }
0x16f: {  	v19 =	vld.idx.msk [tilespmem:v17+s9+$0x0 ss:$0x1], $0xffff  }
0x170: {  	v58 =	vld.idx.msk [tilespmem:v17+s10+$0xFFFFFF90 ss:$0x1], $0xffff  }
0x171: {  	v59 =	vld.idx.msk [tilespmem:v17+s11+$0xFFFFFF90 ss:$0x1], $0xffff  }
0x172: {  	v22 =	vld.idx.msk [tilespmem:v17+s12+$0xFFFFFF90 ss:$0x1], $0xffff  }
0x173: {  	v23 =	vld.idx.msk [tilespmem:v17+s13+$0xFFFFFF90 ss:$0x1], $0xffff  }
0x174: {  	v24 =	vld.idx.msk [tilespmem:v17+s15+$0xFFFFFFD0 ss:$0x1], $0xffff  }
0x175: {  	v25 =	vld.idx.msk [tilespmem:v17+s14+$0x10 ss:$0x1], $0xffff  }
0x176: {  	v26 =	vld.idx.msk [tilespmem:v17+s9+$0x10 ss:$0x1], $0xffff  }
0x177: {  	v27 =	vld.idx.msk [tilespmem:v17+s10+$0xFFFFFFA0 ss:$0x1], $0xffff  }
0x178: {  	v60 =	vld.idx.msk [tilespmem:v17+s11+$0xFFFFFFA0 ss:$0x1], $0xffff  }
0x179: {  	v61 =	vld.idx.msk [tilespmem:v17+s12+$0xFFFFFFA0 ss:$0x1], $0xffff  }
0x17a: {  	v62 =	vld.idx.msk [tilespmem:v17+s13+$0xFFFFFFA0 ss:$0x1], $0xffff  }
0x17b: {  	v31 =	vld.idx.msk [tilespmem:v17+s15+$0xFFFFFFE0 ss:$0x1], $0xffff  }
0x17c: {  	v63 =	vld.idx.msk [tilespmem:v17+s14+$0x20 ss:$0x1], $0xffff  }
0x17d: {  	v48 =	vld.idx.msk [tilespmem:v17+s9+$0x20 ss:$0x1], $0xffff  }
0x17e: {  	v49 =	vld.idx.msk [tilespmem:v17+s10+$0xFFFFFFB0 ss:$0x1], $0xffff  }
0x17f: {  	v50 =	vld.idx.msk [tilespmem:v17+s11+$0xFFFFFFB0 ss:$0x1], $0xffff  }
0x180: {  	v36 =	vld.idx.msk [tilespmem:v17+s12+$0xFFFFFFB0 ss:$0x1], $0xffff  }
0x181: {  	v37 =	vld.idx.msk [tilespmem:v17+s13+$0xFFFFFFB0 ss:$0x1], $0xffff  }
0x182: {  	v38 =	vld.idx.msk [tilespmem:v17+s15+$0xFFFFFFF0 ss:$0x1], $0xffff  }
0x183: {  	v51 =	vld.idx.msk [tilespmem:v17+s14+$0x30 ss:$0x1], $0xffff  }
0x184: {  	v52 =	vld.idx.msk [tilespmem:v17+s9+$0x30 ss:$0x1], $0xffff  }
0x185: {  	v53 =	vld.idx.msk [tilespmem:v17+s10+$0xFFFFFFC0 ss:$0x1], $0xffff  }
0x186: {  	v54 =	vld.idx.msk [tilespmem:v17+s11+$0xFFFFFFC0 ss:$0x1], $0xffff  }
0x187: {  	v57 =	vld.idx.msk [tilespmem:v17+s12+$0xFFFFFFC0 ss:$0x1], $0xffff  }
0x188: {  	v46 =	vld.idx.msk [tilespmem:v17+s15+$0x0 ss:$0x1], $0xffff;
	v55 =	vmul.f32 v19, v18;
	v56 =	vmul.f32 v59, v58  }
0x189: {  	v34 =	vld.idx.msk [tilespmem:v17+s14+$0x50 ss:$0x1], $0xffff;
	v18 =	vmul.f32 v59, v18;
	v19 =	vmul.f32 v58, v19  }
0x18a: {  	v47 =	vld.idx.msk [tilespmem:v17+s9+$0x50 ss:$0x1], $0xffff;
	v59 =	vmul.f32 v26, v25;
	v25 =	vmul.f32 v60, v25  }
0x18b: {  	v45 =	vld.idx.msk [tilespmem:v17+s9+$0x70 ss:$0x1], $0xffff;
	v28 =	vmul.f32 v60, v27;
	v26 =	vmul.f32 v27, v26  }
0x18c: {  	v58 =	vld.idx.msk [tilespmem:v17+s13+$0xFFFFFFC0 ss:$0x1], $0xffff;
	v32 =	vmul.f32 v50, v63;
	v33 =	vmul.f32 v49, v48  }
0x18d: {  	v27 =	vld.idx.msk [tilespmem:v17+s14+$0x40 ss:$0x1], $0xffff;
	v44 =	vmul.f32 v54, v51;
	v43 =	vadd.f32 v56, v55;
	v18 =	vsub.f32 v18, v19  }
0x18e: {  	v60 =	vld.idx.msk [tilespmem:v17+s11+$0xFFFFFFD0 ss:$0x1], $0xffff;
	v40 =	vmul.f32 v53, v52;
	v21 =	vadd.f32 v28, v59;
	v25 =	vsub.f32 v25, v26  }
0x18f: {  	v19 =	vld.idx.msk [tilespmem:v17+s9+$0x40 ss:$0x1], $0xffff;
	v22 =	vmul.f32 v43, v22;
	v18 =	vmul.f32 v18, v23  }
0x190: {  	v26 =	vld.idx.msk [tilespmem:v17+s10+$0xFFFFFFD0 ss:$0x1], $0xffff;
	v21 =	vmul.f32 v21, v61;
	v25 =	vmul.f32 v25, v62  }
0x191: {  	v28 =	vld.idx.msk [tilespmem:v17+s12+$0xFFFFFFD0 ss:$0x1], $0xffff;
	v61 =	vmul.f32 v48, v63;
	v63 =	vmul.f32 v52, v51  }
0x192: {  	v56 =	vld.idx.msk [tilespmem:v17+s14+$0x60 ss:$0x1], $0xffff;
	v48 =	vmul.f32 v54, v53;
	v51 =	vsub.f32 v32, v33;
	v53 =	vsub.f32 v44, v40  }
0x193: {  	v59 =	vld.idx.msk [tilespmem:v17+s9+$0x60 ss:$0x1], $0xffff;
	v62 =	vmul.f32 v50, v49;
	v18 =	vadd.f32 v18, v22  }
0x194: {  	v52 =	vld.idx.msk [tilespmem:v17+s11+$0xFFFFFFE0 ss:$0x1], $0xffff;
	v21 =	vadd.f32 v25, v21;
	v29 =	vmul.f32 v51, v37;
	v20 =	vmul.f32 v53, v58  }
0x195: {  	v49 =	vld.idx.msk [tilespmem:v17+s10+$0xFFFFFFE0 ss:$0x1], $0xffff;
	v50 =	vadd.f32 v62, v61;
	v62 =	vmul.f32 v47, v34;
	v58 =	vmul.f32 v60, v26  }
0x196: {  	v44 =	vld.idx.msk [tilespmem:v17+s14+$0x70 ss:$0x1], $0xffff;
	v22 =	vadd.f32 v48, v63;
	v60 =	vmul.f32 v60, v27;
	v18 =	vmul.f32 v18, v24  }
0x197: {  	v61 =	vld.idx.msk [tilespmem:v17+s10+$0xFFFFFFF0 ss:$0x1], $0xffff;
	v21 =	vmul.f32 v21, v31;
	v24 =	vmul.f32 v50, v36  }
0x198: {  	v37 =	vld.idx.msk [tilespmem:v17+s11+$0xFFFFFFF0 ss:$0x1], $0xffff;
	v22 =	vmul.f32 v22, v57;
	v57 =	vmul.f32 v19, v27  }
0x199: {  	v55 =	vld.idx.msk [tilespmem:v17+s13+$0xFFFFFFE0 ss:$0x1], $0xffff;
	v19 =	vmul.f32 v26, v19;
	v63 =	vmul.f32 v52, v34  }
0x19a: {  	v43 =	vld.idx.msk [tilespmem:v17+s13+$0xFFFFFFD0 ss:$0x1], $0xffff;
	v40 =	vmul.f32 v52, v49;
	v42 =	vmul.f32 v49, v47;
	v18 =	vadd.f32 $0.0e+00, v18  }
0x19b: {  	v54 =	vld.idx.msk [tilespmem:v17+s12+$0xFFFFFFE0 ss:$0x1], $0xffff;
	v52 =	vmul.f32 v59, v56;
	v24 =	vadd.f32 v29, v24;
	v20 =	vadd.f32 v20, v22  }
0x19c: {  	v47 =	vld.idx.msk [tilespmem:v17+s11+$0x0 ss:$0x1], $0xffff;
	v33 =	vadd.f32 v58, v57;
	v19 =	vsub.f32 v60, v19;
	v58 =	vmul.f32 v45, v44  }
0x19d: {  	v49 =	vld.idx.msk [tilespmem:v17+s10+$0x0 ss:$0x1], $0xffff;
	v22 =	vadd.f32 v40, v62;
	v53 =	vmul.f32 v37, v61;
	v23 =	vmul.f32 v61, v59  }
0x19e: {  	v18 =	vadd.f32 v21, v18;
	v24 =	vmul.f32 v24, v38;
	v20 =	vmul.f32 v20, v46  }
0x19f: {  	v50 =	vld.idx.msk [tilespmem:v17+s12+$0xFFFFFFF0 ss:$0x1], $0xffff;
	v46 =	vsub.f32 v63, v42;
	v48 =	vmul.f32 v33, v28;
	v19 =	vmul.f32 v19, v43  }
0x1a0: {  	v51 =	vld.idx.msk [tilespmem:v17+s13+$0xFFFFFFF0 ss:$0x1], $0xffff;
	v22 =	vmul.f32 v22, v54;
	v54 =	vmul.f32 v37, v56;
	v56 =	vadd.f32 v53, v52  }
0x1a1: {  	v57 =	vld.idx.msk [tilespmem:v17+s13+$0x0 ss:$0x1], $0xffff;
	v18 =	vadd.f32 v24, v18;
	v26 =	vmul.f32 v46, v55;
	v59 =	vmul.f32 v47, v44  }
0x1a2: {  	v19 =	vadd.f32 v19, v48;
	v55 =	vld.idx.msk [tilespmem:v17+s12+$0x0 ss:$0x1], $0xffff;
	v60 =	vmul.f32 v47, v49;
	v21 =	vmul.f32 v49, v45  }
0x1a3: {  	v23 =	vsub.f32 v54, v23;
	v18 =	vadd.f32 v20, v18  }
0x1a4: {  	v61 =	vmul.f32 v56, v50;
	v62 =	vadd.f32 v60, v58;
	v21 =	vsub.f32 v59, v21  }
0x1a5: {  	v20 =	vmul.f32 v23, v51;
	v18 =	vadd.f32 v19, v18;
	v19 =	vadd.f32 v26, v22  }
0x1a6: {  	v21 =	vmul.f32 v21, v57  }
0x1a7: {  	s16 =	sadd.s32 $0x2, s16;
	v63 =	vmul.f32 v62, v55;
	v18 =	vadd.f32 v19, v18;
	v19 =	vadd.f32 v20, v61  }
0x1a8: {  	p1 =	slt.u32 s16, $0xE  }
.Ltmp2:
0x1a9: {  	v18 =	vadd.f32 v19, v18;
	v19 =	vadd.f32 v21, v63;
	(pc) =	sbr.rel @p1 .LBB2_8-.Ltmp2, $4  }
0x1aa: {  	_ = 	snop  }
0x1ab: {  	s15 =	sadd.s32 $0x100, s15;
	s9 =	sadd.s32 $0x100, s9;
	v18 =	vadd.f32 v19, v18  }
0x1ac: {  	s14 =	sadd.s32 $0x100, s14;
	s10 =	sadd.s32 $0x100, s10;
	s11 =	sadd.s32 $0x100, s11  }
0x1ad: {  	s13 =	sadd.s32 $0x100, s13;
	s12 =	sadd.s32 $0x100, s12;
	[tilespmem:s8+$0x0] =	vst v18;
	s8 =	sadd.s32 $0x30, s8  }
0x1ae: {  	_ =	sdelay $0x3  }
0x1af: {  	v17 =	vld.idx.msk [tilespmem:v0+s19+$0x0], $0xffff;
	_ =	sdelay $0x1  }
0x1b0: {  	v18 =	vld.idx.msk [tilespmem:v1+s19+$0x0], $0xffff;
	_ =	sdelay $0x1  }
0x1b1: {  	v19 =	vld.idx.msk [tilespmem:v2+s19+$0x0], $0xffff  }
0x1b2: {  	v17 =	vadd.f32 $0.0e+00, v17  }
0x1b3: {  	v20 =	vld.idx.msk [tilespmem:v3+s19+$0x0], $0xffff  }
0x1b4: {  	v17 =	vadd.f32 v18, v17  }
0x1b5: {  	v18 =	vld.idx.msk [tilespmem:v4+s19+$0x0], $0xffff  }
0x1b6: {  	v17 =	vadd.f32 v19, v17  }
0x1b7: {  	v19 =	vld.idx.msk [tilespmem:v5+s19+$0x0], $0xffff  }
0x1b8: {  	v17 =	vadd.f32 v20, v17  }
0x1b9: {  	v60 =	vld.idx.msk [tilespmem:v6+s19+$0x0], $0xffff  }
0x1ba: {  	v17 =	vadd.f32 v18, v17  }
0x1bb: {  	v18 =	vld.idx.msk [tilespmem:v7+s19+$0x0], $0xffff  }
0x1bc: {  	v17 =	vadd.f32 v19, v17  }
0x1bd: {  	v19 =	vld.idx.msk [tilespmem:v8+s19+$0x0], $0xffff  }
0x1be: {  	v17 =	vadd.f32 v60, v17  }
0x1bf: {  	v61 =	vld.idx.msk [tilespmem:v9+s19+$0x0], $0xffff  }
0x1c0: {  	v17 =	vadd.f32 v18, v17  }
0x1c1: {  	v18 =	vld.idx.msk [tilespmem:v10+s19+$0x0], $0xffff  }
0x1c2: {  	v17 =	vadd.f32 v19, v17  }
0x1c3: {  	v19 =	vld.idx.msk [tilespmem:v11+s19+$0x0], $0xffff  }
0x1c4: {  	v17 =	vadd.f32 v61, v17  }
0x1c5: {  	v62 =	vld.idx.msk [tilespmem:v12+s19+$0x0], $0xffff  }
0x1c6: {  	v17 =	vadd.f32 v18, v17  }
0x1c7: {  	v18 =	vld.idx.msk [tilespmem:v13+s19+$0x0], $0xffff  }
0x1c8: {  	v17 =	vadd.f32 v19, v17  }
0x1c9: {  	v19 =	vld.idx.msk [tilespmem:v14+s19+$0x0], $0xffff  }
0x1ca: {  	v17 =	vadd.f32 v62, v17  }
0x1cb: {  	v63 =	vld.idx.msk [tilespmem:v15+s19+$0x0], $0xffff  }
0x1cc: {  	v17 =	vadd.f32 v18, v17;
	_ =	sdelay $0x1  }
.Ltmp3:
0x1cd: {  	v17 =	vadd.f32 v19, v17;
	(pc) =	sbr.rel @p0 .LBB2_7-.Ltmp3, $4  }
0x1ce: {  	_ = 	snop  }
0x1cf: {  	s8 =	sshll.u32 s21, $0x4;
	v17 =	vadd.f32 v63, v17  }
0x1d0: {  	s8 =	sand.u32 $0x3FFFFFF0, s8  }
0x1d1: {  	s21 =	simm.s32 $0x1;
	p1 =	por $0x0, $0x0;
	[tilespmem:v16+s8+$0x0 ss:$0x1] =	vst.idx.msk $0xffff, v17  }
0x1d2: {  	s24 =	sadd.s32 $0x1, s24  }
0x1d3: {  	p0 =	sne.s32 s24, $0x8  }
.Ltmp4:
0x1d4: {  	_ = 	snop;
	(pc) =	sbr.rel @p0 .LBB2_2-.Ltmp4, $1  }
0x1d5: {  	_ =	sdelay $0x3  }
0x1d6: {  	s8 =	rddreg [dreg:$0xf];
	s9 =	simm.s32 $0xE980;
	s24 =	simm.s32 $0x3  }
0x1d7: {  	[hbm4b:s8+s5] =	stream.linear.scatter [tilespmem:s9], [sflag:$0x3], $0x200, $0x38;
	[tilespmem:$0xEB80] =	vst v63  }
0x1d8: {  	_ =	swait.ge [sflag:s24], $0x200  }
0x1d9: {  	s23 =	sadd.s32 $0x1, s23;
	s25 =	rddreg [dreg:$0x10]  }
0x1da: {  	p0 =	sne.s32 s23, s25  }
.Ltmp5:
0x1db: {  	_ = 	snop;
	(pc) =	sbr.rel @p0 .LBB2_1-.Ltmp5, $3  }
0x1dc: {  	_ =	sdelay $0x1  }
0x1dd: {  	[sflag:s24] =	ssyncset.done $0x0  }
0x1de: {  	[sflag:s24] =	ssyncadd.s32 $0xFFFFFE00  }
0x1df: {  	_ =	sfence.sel $0x180000  }
0x1e0: {  	[bflag:$0x0] =	sbarrier.arrive $0xFFFF  }
0x1e1: {  	_ =	strace $0x90000047  }
0x1e2: {  	s0 =	stileid.u32;
	[bflag:$0x2] =	sbarrier.arrive $0xFFFF  }
0x1e3: {  	p0 =	sne.s32 s0, $0x0;
	s0 =	rddreg [dreg:$0xa]  }
0x1e4: {  	s0 =	sadd.s32 @!p0 $0x100000, s0  }
0x1e5: {  	[sflag:s0] =	ssyncadd.tile.s32 @!p0 $0x1;
	_ =	shalt  }
.Lfunc_end2:
_tile_overlayer_lowered:
.L_overlay_start_2:
0x1e6: {  	(tag) =	ssettag $0x2  }
0x1e7: {  	s0 =	rddreg [dreg:$0x0];
	s2 =	stileid.u32  }
0x1e8: {  	s1 =	rddreg [dreg:$0x1];
	p0 =	sne.s32 s2, $0x0  }
0x1e9: {  	s3 =	rddreg [dreg:$0x2];
	[bflag:$0x3] =	sbarrier.arrive $0xFFFF;
	s2 =	simm.s32 @!p0 $0x1C03  }
0x1ea: {  	[timem:s3], [sflag:s2] =	dma.local @!p0 [hbm:s0], s1  }
0x1eb: {  	s0 =	simm.s32 @!p0 $0x3  }
0x1ec: {  	_ =	swait.ge @!p0 [sflag:s0], s1  }
0x1ed: {  	s1 =	ssub.s32 @!p0 $0x0, s1;
	[sflag:s0] =	ssyncset.done @!p0 $0x0  }
0x1ee: {  	[sflag:s0] =	ssyncadd.s32 @!p0 s1  }
0x1ef: {  	[bflag:$0x3] =	sbarrier.arrive $0xFFFF  }
0x1f0: {  	_ =	shalt  }

</sc_bundles>
